<compile_context>
chip_gen: v7x
topology: tpu7x:2x2x1
jax: 0.10.2.dev20260603
libtpu: 0.0.44.dev20260713+nightly
codegen_flags: <defaults>
</compile_context>

<pallas_src>
import functools

import jax
import jax.numpy as jnp
from jax import lax
from jax.experimental import pallas as pl
from jax.experimental.pallas import tpu as pltpu
from jax.experimental.pallas import tpu_sc as plsc

B, D, O = 16384, 512, 256
L = 16
NC, NS = 2, 16
NW = NC * NS
ROWS_W = B // NW
R = 32
NIN = 4
NOUT = 2
NCHUNK = ROWS_W // R
TRIPS = NCHUNK // NIN
NJ = O // L

_mesh = plsc.VectorSubcoreMesh(core_axis_name="c", subcore_axis_name="s")


@functools.partial(
    pl.kernel,
    mesh=_mesh,
    out_type=jax.ShapeDtypeStruct((B, O), jnp.float32),
    scratch_types=[
        pltpu.VMEM((NIN, R, D), jnp.float32),
        pltpu.VMEM((NOUT, R, O), jnp.float32),
        pltpu.VMEM((O,), jnp.float32),
        pltpu.VMEM((O,), jnp.float32),
        pltpu.VMEM((O,), jnp.float32),
        pltpu.SemaphoreType.DMA,
        pltpu.SemaphoreType.DMA,
        pltpu.SemaphoreType.DMA,
        pltpu.SemaphoreType.DMA,
        pltpu.SemaphoreType.DMA,
        pltpu.SemaphoreType.DMA,
        pltpu.SemaphoreType.DMA,
        pltpu.SemaphoreType.DMA,
        pltpu.SemaphoreType.DMA,
        pltpu.SemaphoreType.DMA,
    ],
)
def _fsel(x_hbm, sf_hbm, out_hbm, inbuf, outbuf, sfb, fb, gb,
          sem_in0, sem_in1, sem_in2, sem_in3,
          sem_in4, sem_in5, sem_in6, sem_in7,
          sem_out0, sem_out1):
    sem_in = (sem_in0, sem_in1, sem_in2, sem_in3,
              sem_in4, sem_in5, sem_in6, sem_in7)
    sem_out = (sem_out0, sem_out1)
    wid = lax.axis_index("s") * NC + lax.axis_index("c")
    base = wid * ROWS_W

    HI = R // 2

    def start_in(c, pin):
        pltpu.async_copy(
            x_hbm.at[pl.ds(base + c * R, HI), :],
            inbuf.at[pin, pl.ds(0, HI)], sem_in[pin])
        pltpu.async_copy(
            x_hbm.at[pl.ds(base + c * R + HI, HI), :],
            inbuf.at[pin, pl.ds(HI, HI)], sem_in[pin])

    def wait_in(c, pin):
        pltpu.make_async_copy(
            x_hbm.at[pl.ds(base + c * R, R), :], inbuf.at[pin], sem_in[pin]
        ).wait()

    def start_out(c, pout):
        pltpu.async_copy(
            outbuf.at[pout], out_hbm.at[pl.ds(base + c * R, R), :],
            sem_out[pout])

    def wait_out(c, pout):
        pltpu.make_async_copy(
            outbuf.at[pout], out_hbm.at[pl.ds(base + c * R, R), :],
            sem_out[pout]
        ).wait()

    def compute(pin, pout):
        inb = inbuf.at[pin]
        outb = outbuf.at[pout]

        def jbody(j, carry):
            f = fb[pl.ds(j * L, L)]
            g = gb[pl.ds(j * L, L)]

            @plsc.parallel_loop(0, R, unroll=4)
            def row_body(r, inb=inb, outb=outb, f=f, g=g, j=j):
                a = inb[r, pl.ds(j * L, L)]
                b = inb[r, pl.ds(O + j * L, L)]
                outb[r, pl.ds(j * L, L)] = a * f + b * g

            return carry

        lax.fori_loop(0, NJ, jbody, 0)

    for pin in range(NIN):
        start_in(pin, pin)

    pltpu.sync_copy(sf_hbm, sfb)
    for j in range(NJ):
        s = sfb[pl.ds(j * L, L)]
        f = 1.0 / (1.0 + jnp.exp(-s))
        fb[pl.ds(j * L, L)] = f
        gb[pl.ds(j * L, L)] = 1.0 - f

    def ring_body(k, carry):
        for i in range(NIN):
            c = NIN * k + i
            pin = i
            pout = i % NOUT

            wait_in(c, pin)

            if i >= NOUT:
                wait_out(c - NOUT, pout)
            else:
                @pl.when(k >= 1)
                def _(c=c, pout=pout):
                    wait_out(c - NOUT, pout)

            compute(pin, pout)

            @pl.when(k < TRIPS - 1)
            def _(c=c, pin=pin):
                start_in(c + NIN, pin)

            start_out(c, pout)
        return carry

    lax.fori_loop(0, TRIPS, ring_body, 0)
    for i in range(NOUT):
        wait_out(NCHUNK - NOUT + i, i % NOUT)


def kernel(x, sigmoid_factor, first_index, second_index):
    del first_index, second_index
    return _fsel(x, sigmoid_factor)

# --- scband reference (transcript-rebuilt; emitter-appended) ---
"""Pipeline reference for scband-feature-selection-layer-16750372454579 (READ-ONLY COPY).

The authoritative reference and input builder live on the scoring server;
editing this copy changes nothing except your own understanding.
"""

import jax, jax.numpy as jnp
import numpy as np

TAU = 1.0

def setup_inputs(seed: int = 0) -> dict:
    key = jax.random.key(seed)
    kx = jax.random.fold_in(key, 1)
    x = jax.random.normal(kx, (16384, 512), dtype=jnp.float32)
    # learned parameter (initialized to zeros as in the torch module)
    sigmoid_factor = jnp.zeros((256,), dtype=jnp.float32)
    # index constants from __init__
    first_index = jnp.arange(0, 256, dtype=jnp.int32)
    second_index = jnp.arange(256, 512, dtype=jnp.int32)
    return {"x": x, "sigmoid_factor": sigmoid_factor, "first_index": first_index, "second_index": second_index}

def reference(x, sigmoid_factor, first_index, second_index):
    # factor in (0,1) per output feature; eval=False path (no rounding)
    factor = jax.nn.sigmoid(sigmoid_factor / TAU)
    x_first = jnp.take(x, first_index, axis=1)   # gather [B, out_features]
    x_second = jnp.take(x, second_index, axis=1) # gather [B, out_features]
    return x_first * factor + x_second * (1.0 - factor)

if __name__ == "__main__":
    import jax
    _d = setup_inputs()
    print(jax.jit(kernel)(*tuple(_d.values())))

</pallas_src>

<mosaic_0001>
#map = affine_map<(d0, d1) -> (0, 0)>
#map1 = affine_map<(d0, d1) -> (0)>
module attributes {stable_mosaic.version = 14 : i64} {
  func.func @_fsel(%arg0: i32, %arg1: i32, %arg2: memref<16384x512xf32, #tpu.memory_space<hbm>>, %arg3: memref<256xf32, #tpu.memory_space<hbm>>, %arg4: memref<16384x256xf32, #tpu.memory_space<hbm>>, %arg5: memref<4x32x512xf32, #tpu.memory_space<vmem>>, %arg6: memref<2x32x256xf32, #tpu.memory_space<vmem>>, %arg7: memref<256xf32, #tpu.memory_space<vmem>>, %arg8: memref<256xf32, #tpu.memory_space<vmem>>, %arg9: memref<256xf32, #tpu.memory_space<vmem>>, %arg10: memref<!tpu.dma_semaphore, #tpu.memory_space<semaphore_mem>>, %arg11: memref<!tpu.dma_semaphore, #tpu.memory_space<semaphore_mem>>, %arg12: memref<!tpu.dma_semaphore, #tpu.memory_space<semaphore_mem>>, %arg13: memref<!tpu.dma_semaphore, #tpu.memory_space<semaphore_mem>>, %arg14: memref<!tpu.dma_semaphore, #tpu.memory_space<semaphore_mem>>, %arg15: memref<!tpu.dma_semaphore, #tpu.memory_space<semaphore_mem>>, %arg16: memref<!tpu.dma_semaphore, #tpu.memory_space<semaphore_mem>>, %arg17: memref<!tpu.dma_semaphore, #tpu.memory_space<semaphore_mem>>, %arg18: memref<!tpu.dma_semaphore, #tpu.memory_space<semaphore_mem>>, %arg19: memref<!tpu.dma_semaphore, #tpu.memory_space<semaphore_mem>>) attributes {dimension_semantics = [#tpu.dimension_semantics<core_parallel>, #tpu.dimension_semantics<subcore_parallel>], iteration_bounds = array<i64: 2, 16>, scalar_prefetch = 0 : i64, scratch_operands = 15 : i64, tpu.core_type = #tpu.core_type<sc_vector_subcore>, window_params = [{transform_indices = #map}, {transform_indices = #map1}, {transform_indices = #map}]} {
    %mul3A = arith.constant 2 : i32
    %mul3A_0 = arith.muli %arg1, %mul3A : i32
    %add3A = arith.addi %mul3A_0, %arg0 : i32
    %mul3A_1 = arith.constant 512 : i32
    %mul3A_2 = arith.muli %add3A, %mul3A_1 : i32
    %add3A_3 = arith.constant 0 : i32
    %add3A_4 = arith.addi %mul3A_2, %add3A_3 : i32
    %dma_start3A = arith.constant 0 : i32
    %dma_start3A_5 = arith.constant 0 : i32
    %dma_start3A_6 = arith.constant 0 : i32
    %dma_start3A_7 = tpu.memref_slice %arg5[%dma_start3A, %dma_start3A_5, %dma_start3A_6] : memref<4x32x512xf32, #tpu.memory_space<vmem>> -> memref<1x16x512xf32, #tpu.memory_space<vmem>>
    %dma_start3A_8 = tpu.memref_squeeze %dma_start3A_7 : memref<1x16x512xf32, #tpu.memory_space<vmem>> -> memref<16x512xf32, #tpu.memory_space<vmem>>
    %dma_start3A_9 = arith.constant 0 : i32
    %dma_start3A_10 = tpu.memref_slice %arg2[%add3A_4, %dma_start3A_9] : memref<16384x512xf32, #tpu.memory_space<hbm>> -> memref<16x512xf32, #tpu.memory_space<hbm>>
    %dma_start3A_11 = arith.constant 0 : i32
    %dma_start3A_12 = arith.constant 0 : i32
    %dma_start3A_13 = tpu.memref_slice %arg5[%dma_start3A, %dma_start3A_11, %dma_start3A_12] : memref<4x32x512xf32, #tpu.memory_space<vmem>> -> memref<1x16x512xf32, #tpu.memory_space<vmem>>
    %dma_start3A_14 = tpu.memref_squeeze %dma_start3A_13 : memref<1x16x512xf32, #tpu.memory_space<vmem>> -> memref<16x512xf32, #tpu.memory_space<vmem>>
    %dma_start3A_15 = arith.constant 0 : i32
    %dma_start3A_16 = tpu.memref_slice %arg2[%add3A_4, %dma_start3A_15] : memref<16384x512xf32, #tpu.memory_space<hbm>> -> memref<16x512xf32, #tpu.memory_space<hbm>>
    tpu.enqueue_dma source(%dma_start3A_16 : memref<16x512xf32, #tpu.memory_space<hbm>>) target(%dma_start3A_14 : memref<16x512xf32, #tpu.memory_space<vmem>>) target_semaphore(%arg10 : memref<!tpu.dma_semaphore, #tpu.memory_space<semaphore_mem>>)
    %add3A_17 = arith.constant 0 : i32
    %add3A_18 = arith.addi %mul3A_2, %add3A_17 : i32
    %add3A_19 = arith.constant 16 : i32
    %add3A_20 = arith.addi %add3A_18, %add3A_19 : i32
    %dma_start3A_21 = arith.constant 0 : i32
    %dma_start3A_22 = arith.constant 16 : i32
    %dma_start3A_23 = arith.constant 0 : i32
    %dma_start3A_24 = tpu.memref_slice %arg5[%dma_start3A_21, %dma_start3A_22, %dma_start3A_23] : memref<4x32x512xf32, #tpu.memory_space<vmem>> -> memref<1x16x512xf32, #tpu.memory_space<vmem>>
    %dma_start3A_25 = tpu.memref_squeeze %dma_start3A_24 : memref<1x16x512xf32, #tpu.memory_space<vmem>> -> memref<16x512xf32, #tpu.memory_space<vmem>>
    %dma_start3A_26 = arith.constant 0 : i32
    %dma_start3A_27 = tpu.memref_slice %arg2[%add3A_20, %dma_start3A_26] : memref<16384x512xf32, #tpu.memory_space<hbm>> -> memref<16x512xf32, #tpu.memory_space<hbm>>
    %dma_start3A_28 = arith.constant 16 : i32
    %dma_start3A_29 = arith.constant 0 : i32
    %dma_start3A_30 = tpu.memref_slice %arg5[%dma_start3A_21, %dma_start3A_28, %dma_start3A_29] : memref<4x32x512xf32, #tpu.memory_space<vmem>> -> memref<1x16x512xf32, #tpu.memory_space<vmem>>
    %dma_start3A_31 = tpu.memref_squeeze %dma_start3A_30 : memref<1x16x512xf32, #tpu.memory_space<vmem>> -> memref<16x512xf32, #tpu.memory_space<vmem>>
    %dma_start3A_32 = arith.constant 0 : i32
    %dma_start3A_33 = tpu.memref_slice %arg2[%add3A_20, %dma_start3A_32] : memref<16384x512xf32, #tpu.memory_space<hbm>> -> memref<16x512xf32, #tpu.memory_space<hbm>>
    tpu.enqueue_dma source(%dma_start3A_33 : memref<16x512xf32, #tpu.memory_space<hbm>>) target(%dma_start3A_31 : memref<16x512xf32, #tpu.memory_space<vmem>>) target_semaphore(%arg10 : memref<!tpu.dma_semaphore, #tpu.memory_space<semaphore_mem>>)
    %add3A_34 = arith.constant 32 : i32
    %add3A_35 = arith.addi %mul3A_2, %add3A_34 : i32
    %dma_start3A_36 = arith.constant 1 : i32
    %dma_start3A_37 = arith.constant 0 : i32
    %dma_start3A_38 = arith.constant 0 : i32
    %dma_start3A_39 = tpu.memref_slice %arg5[%dma_start3A_36, %dma_start3A_37, %dma_start3A_38] : memref<4x32x512xf32, #tpu.memory_space<vmem>> -> memref<1x16x512xf32, #tpu.memory_space<vmem>>
    %dma_start3A_40 = tpu.memref_squeeze %dma_start3A_39 : memref<1x16x512xf32, #tpu.memory_space<vmem>> -> memref<16x512xf32, #tpu.memory_space<vmem>>
    %dma_start3A_41 = arith.constant 0 : i32
    %dma_start3A_42 = tpu.memref_slice %arg2[%add3A_35, %dma_start3A_41] : memref<16384x512xf32, #tpu.memory_space<hbm>> -> memref<16x512xf32, #tpu.memory_space<hbm>>
    %dma_start3A_43 = arith.constant 0 : i32
    %dma_start3A_44 = arith.constant 0 : i32
    %dma_start3A_45 = tpu.memref_slice %arg5[%dma_start3A_36, %dma_start3A_43, %dma_start3A_44] : memref<4x32x512xf32, #tpu.memory_space<vmem>> -> memref<1x16x512xf32, #tpu.memory_space<vmem>>
    %dma_start3A_46 = tpu.memref_squeeze %dma_start3A_45 : memref<1x16x512xf32, #tpu.memory_space<vmem>> -> memref<16x512xf32, #tpu.memory_space<vmem>>
    %dma_start3A_47 = arith.constant 0 : i32
    %dma_start3A_48 = tpu.memref_slice %arg2[%add3A_35, %dma_start3A_47] : memref<16384x512xf32, #tpu.memory_space<hbm>> -> memref<16x512xf32, #tpu.memory_space<hbm>>
    tpu.enqueue_dma source(%dma_start3A_48 : memref<16x512xf32, #tpu.memory_space<hbm>>) target(%dma_start3A_46 : memref<16x512xf32, #tpu.memory_space<vmem>>) target_semaphore(%arg11 : memref<!tpu.dma_semaphore, #tpu.memory_space<semaphore_mem>>)
    %add3A_49 = arith.constant 32 : i32
    %add3A_50 = arith.addi %mul3A_2, %add3A_49 : i32
    %add3A_51 = arith.constant 16 : i32
    %add3A_52 = arith.addi %add3A_50, %add3A_51 : i32
    %dma_start3A_53 = arith.constant 1 : i32
    %dma_start3A_54 = arith.constant 16 : i32
    %dma_start3A_55 = arith.constant 0 : i32
    %dma_start3A_56 = tpu.memref_slice %arg5[%dma_start3A_53, %dma_start3A_54, %dma_start3A_55] : memref<4x32x512xf32, #tpu.memory_space<vmem>> -> memref<1x16x512xf32, #tpu.memory_space<vmem>>
    %dma_start3A_57 = tpu.memref_squeeze %dma_start3A_56 : memref<1x16x512xf32, #tpu.memory_space<vmem>> -> memref<16x512xf32, #tpu.memory_space<vmem>>
    %dma_start3A_58 = arith.constant 0 : i32
    %dma_start3A_59 = tpu.memref_slice %arg2[%add3A_52, %dma_start3A_58] : memref<16384x512xf32, #tpu.memory_space<hbm>> -> memref<16x512xf32, #tpu.memory_space<hbm>>
    %dma_start3A_60 = arith.constant 16 : i32
    %dma_start3A_61 = arith.constant 0 : i32
    %dma_start3A_62 = tpu.memref_slice %arg5[%dma_start3A_53, %dma_start3A_60, %dma_start3A_61] : memref<4x32x512xf32, #tpu.memory_space<vmem>> -> memref<1x16x512xf32, #tpu.memory_space<vmem>>
    %dma_start3A_63 = tpu.memref_squeeze %dma_start3A_62 : memref<1x16x512xf32, #tpu.memory_space<vmem>> -> memref<16x512xf32, #tpu.memory_space<vmem>>
    %dma_start3A_64 = arith.constant 0 : i32
    %dma_start3A_65 = tpu.memref_slice %arg2[%add3A_52, %dma_start3A_64] : memref<16384x512xf32, #tpu.memory_space<hbm>> -> memref<16x512xf32, #tpu.memory_space<hbm>>
    tpu.enqueue_dma source(%dma_start3A_65 : memref<16x512xf32, #tpu.memory_space<hbm>>) target(%dma_start3A_63 : memref<16x512xf32, #tpu.memory_space<vmem>>) target_semaphore(%arg11 : memref<!tpu.dma_semaphore, #tpu.memory_space<semaphore_mem>>)
    %add3A_66 = arith.constant 64 : i32
    %add3A_67 = arith.addi %mul3A_2, %add3A_66 : i32
    %dma_start3A_68 = arith.constant 2 : i32
    %dma_start3A_69 = arith.constant 0 : i32
    %dma_start3A_70 = arith.constant 0 : i32
    %dma_start3A_71 = tpu.memref_slice %arg5[%dma_start3A_68, %dma_start3A_69, %dma_start3A_70] : memref<4x32x512xf32, #tpu.memory_space<vmem>> -> memref<1x16x512xf32, #tpu.memory_space<vmem>>
    %dma_start3A_72 = tpu.memref_squeeze %dma_start3A_71 : memref<1x16x512xf32, #tpu.memory_space<vmem>> -> memref<16x512xf32, #tpu.memory_space<vmem>>
    %dma_start3A_73 = arith.constant 0 : i32
    %dma_start3A_74 = tpu.memref_slice %arg2[%add3A_67, %dma_start3A_73] : memref<16384x512xf32, #tpu.memory_space<hbm>> -> memref<16x512xf32, #tpu.memory_space<hbm>>
    %dma_start3A_75 = arith.constant 0 : i32
    %dma_start3A_76 = arith.constant 0 : i32
    %dma_start3A_77 = tpu.memref_slice %arg5[%dma_start3A_68, %dma_start3A_75, %dma_start3A_76] : memref<4x32x512xf32, #tpu.memory_space<vmem>> -> memref<1x16x512xf32, #tpu.memory_space<vmem>>
    %dma_start3A_78 = tpu.memref_squeeze %dma_start3A_77 : memref<1x16x512xf32, #tpu.memory_space<vmem>> -> memref<16x512xf32, #tpu.memory_space<vmem>>
    %dma_start3A_79 = arith.constant 0 : i32
    %dma_start3A_80 = tpu.memref_slice %arg2[%add3A_67, %dma_start3A_79] : memref<16384x512xf32, #tpu.memory_space<hbm>> -> memref<16x512xf32, #tpu.memory_space<hbm>>
    tpu.enqueue_dma source(%dma_start3A_80 : memref<16x512xf32, #tpu.memory_space<hbm>>) target(%dma_start3A_78 : memref<16x512xf32, #tpu.memory_space<vmem>>) target_semaphore(%arg12 : memref<!tpu.dma_semaphore, #tpu.memory_space<semaphore_mem>>)
    %add3A_81 = arith.constant 64 : i32
    %add3A_82 = arith.addi %mul3A_2, %add3A_81 : i32
    %add3A_83 = arith.constant 16 : i32
    %add3A_84 = arith.addi %add3A_82, %add3A_83 : i32
    %dma_start3A_85 = arith.constant 2 : i32
    %dma_start3A_86 = arith.constant 16 : i32
    %dma_start3A_87 = arith.constant 0 : i32
    %dma_start3A_88 = tpu.memref_slice %arg5[%dma_start3A_85, %dma_start3A_86, %dma_start3A_87] : memref<4x32x512xf32, #tpu.memory_space<vmem>> -> memref<1x16x512xf32, #tpu.memory_space<vmem>>
    %dma_start3A_89 = tpu.memref_squeeze %dma_start3A_88 : memref<1x16x512xf32, #tpu.memory_space<vmem>> -> memref<16x512xf32, #tpu.memory_space<vmem>>
    %dma_start3A_90 = arith.constant 0 : i32
    %dma_start3A_91 = tpu.memref_slice %arg2[%add3A_84, %dma_start3A_90] : memref<16384x512xf32, #tpu.memory_space<hbm>> -> memref<16x512xf32, #tpu.memory_space<hbm>>
    %dma_start3A_92 = arith.constant 16 : i32
    %dma_start3A_93 = arith.constant 0 : i32
    %dma_start3A_94 = tpu.memref_slice %arg5[%dma_start3A_85, %dma_start3A_92, %dma_start3A_93] : memref<4x32x512xf32, #tpu.memory_space<vmem>> -> memref<1x16x512xf32, #tpu.memory_space<vmem>>
    %dma_start3A_95 = tpu.memref_squeeze %dma_start3A_94 : memref<1x16x512xf32, #tpu.memory_space<vmem>> -> memref<16x512xf32, #tpu.memory_space<vmem>>
    %dma_start3A_96 = arith.constant 0 : i32
    %dma_start3A_97 = tpu.memref_slice %arg2[%add3A_84, %dma_start3A_96] : memref<16384x512xf32, #tpu.memory_space<hbm>> -> memref<16x512xf32, #tpu.memory_space<hbm>>
    tpu.enqueue_dma source(%dma_start3A_97 : memref<16x512xf32, #tpu.memory_space<hbm>>) target(%dma_start3A_95 : memref<16x512xf32, #tpu.memory_space<vmem>>) target_semaphore(%arg12 : memref<!tpu.dma_semaphore, #tpu.memory_space<semaphore_mem>>)
    %add3A_98 = arith.constant 96 : i32
    %add3A_99 = arith.addi %mul3A_2, %add3A_98 : i32
    %dma_start3A_100 = arith.constant 3 : i32
    %dma_start3A_101 = arith.constant 0 : i32
    %dma_start3A_102 = arith.constant 0 : i32
    %dma_start3A_103 = tpu.memref_slice %arg5[%dma_start3A_100, %dma_start3A_101, %dma_start3A_102] : memref<4x32x512xf32, #tpu.memory_space<vmem>> -> memref<1x16x512xf32, #tpu.memory_space<vmem>>
    %dma_start3A_104 = tpu.memref_squeeze %dma_start3A_103 : memref<1x16x512xf32, #tpu.memory_space<vmem>> -> memref<16x512xf32, #tpu.memory_space<vmem>>
    %dma_start3A_105 = arith.constant 0 : i32
    %dma_start3A_106 = tpu.memref_slice %arg2[%add3A_99, %dma_start3A_105] : memref<16384x512xf32, #tpu.memory_space<hbm>> -> memref<16x512xf32, #tpu.memory_space<hbm>>
    %dma_start3A_107 = arith.constant 0 : i32
    %dma_start3A_108 = arith.constant 0 : i32
    %dma_start3A_109 = tpu.memref_slice %arg5[%dma_start3A_100, %dma_start3A_107, %dma_start3A_108] : memref<4x32x512xf32, #tpu.memory_space<vmem>> -> memref<1x16x512xf32, #tpu.memory_space<vmem>>
    %dma_start3A_110 = tpu.memref_squeeze %dma_start3A_109 : memref<1x16x512xf32, #tpu.memory_space<vmem>> -> memref<16x512xf32, #tpu.memory_space<vmem>>
    %dma_start3A_111 = arith.constant 0 : i32
    %dma_start3A_112 = tpu.memref_slice %arg2[%add3A_99, %dma_start3A_111] : memref<16384x512xf32, #tpu.memory_space<hbm>> -> memref<16x512xf32, #tpu.memory_space<hbm>>
    tpu.enqueue_dma source(%dma_start3A_112 : memref<16x512xf32, #tpu.memory_space<hbm>>) target(%dma_start3A_110 : memref<16x512xf32, #tpu.memory_space<vmem>>) target_semaphore(%arg13 : memref<!tpu.dma_semaphore, #tpu.memory_space<semaphore_mem>>)
    %add3A_113 = arith.constant 96 : i32
    %add3A_114 = arith.addi %mul3A_2, %add3A_113 : i32
    %add3A_115 = arith.constant 16 : i32
    %add3A_116 = arith.addi %add3A_114, %add3A_115 : i32
    %dma_start3A_117 = arith.constant 3 : i32
    %dma_start3A_118 = arith.constant 16 : i32
    %dma_start3A_119 = arith.constant 0 : i32
    %dma_start3A_120 = tpu.memref_slice %arg5[%dma_start3A_117, %dma_start3A_118, %dma_start3A_119] : memref<4x32x512xf32, #tpu.memory_space<vmem>> -> memref<1x16x512xf32, #tpu.memory_space<vmem>>
    %dma_start3A_121 = tpu.memref_squeeze %dma_start3A_120 : memref<1x16x512xf32, #tpu.memory_space<vmem>> -> memref<16x512xf32, #tpu.memory_space<vmem>>
    %dma_start3A_122 = arith.constant 0 : i32
    %dma_start3A_123 = tpu.memref_slice %arg2[%add3A_116, %dma_start3A_122] : memref<16384x512xf32, #tpu.memory_space<hbm>> -> memref<16x512xf32, #tpu.memory_space<hbm>>
    %dma_start3A_124 = arith.constant 16 : i32
    %dma_start3A_125 = arith.constant 0 : i32
    %dma_start3A_126 = tpu.memref_slice %arg5[%dma_start3A_117, %dma_start3A_124, %dma_start3A_125] : memref<4x32x512xf32, #tpu.memory_space<vmem>> -> memref<1x16x512xf32, #tpu.memory_space<vmem>>
    %dma_start3A_127 = tpu.memref_squeeze %dma_start3A_126 : memref<1x16x512xf32, #tpu.memory_space<vmem>> -> memref<16x512xf32, #tpu.memory_space<vmem>>
    %dma_start3A_128 = arith.constant 0 : i32
    %dma_start3A_129 = tpu.memref_slice %arg2[%add3A_116, %dma_start3A_128] : memref<16384x512xf32, #tpu.memory_space<hbm>> -> memref<16x512xf32, #tpu.memory_space<hbm>>
    tpu.enqueue_dma source(%dma_start3A_129 : memref<16x512xf32, #tpu.memory_space<hbm>>) target(%dma_start3A_127 : memref<16x512xf32, #tpu.memory_space<vmem>>) target_semaphore(%arg13 : memref<!tpu.dma_semaphore, #tpu.memory_space<semaphore_mem>>)
    "tpu.region"() ({
      %run_scoped3A = tpu.sem_alloc : memref<!tpu.dma_semaphore, #tpu.memory_space<semaphore_mem>>
      tpu.enqueue_dma source(%arg3 : memref<256xf32, #tpu.memory_space<hbm>>) target(%arg7 : memref<256xf32, #tpu.memory_space<vmem>>) target_semaphore(%run_scoped3A : memref<!tpu.dma_semaphore, #tpu.memory_space<semaphore_mem>>)
      tpu.wait_dma2 semaphore(%run_scoped3A : memref<!tpu.dma_semaphore, #tpu.memory_space<semaphore_mem>>) src(%arg3 : memref<256xf32, #tpu.memory_space<hbm>>) dst(%arg7 : memref<256xf32, #tpu.memory_space<vmem>>)
      tpu.yield
    }) : () -> ()
    %get3A = arith.constant 0 : index
    %get3A_130 = tpu.vector_load %arg7[%get3A] {strides = array<i32>} : memref<256xf32, #tpu.memory_space<vmem>>, vector<16xf32>,
    %get3A_131 = vector.shape_cast %get3A_130 : vector<16xf32> to vector<16xf32>
    %neg3A = arith.constant 0.000000e+00 : f32
    %neg3A_132 = vector.broadcast %neg3A : f32 to vector<16xf32>
    %neg3A_133 = arith.subf %neg3A_132, %get3A_131 : vector<16xf32>
    %exp3A = math.exp %neg3A_133 : vector<16xf32>
    %add3A_134 = arith.constant 1.000000e+00 : f32
    %add3A_135 = vector.broadcast %add3A_134 : f32 to vector<16xf32>
    %add3A_136 = arith.addf %add3A_135, %exp3A : vector<16xf32>
    %div3A = arith.constant 1.000000e+00 : f32
    %div3A_137 = vector.broadcast %div3A : f32 to vector<16xf32>
    %div3A_138 = arith.divf %div3A_137, %add3A_136 : vector<16xf32>
    %swap3A = arith.constant 0 : index
    %swap3A_139 = tpu.vector_load %arg8[%swap3A] {strides = array<i32>} : memref<256xf32, #tpu.memory_space<vmem>>, vector<16xf32>,
    %swap3A_140 = vector.shape_cast %swap3A_139 : vector<16xf32> to vector<16xf32>
    %swap3A_141 = vector.shape_cast %div3A_138 : vector<16xf32> to vector<16xf32>
    tpu.vector_store %arg8[%swap3A], %swap3A_141 {strides = array<i32>} : memref<256xf32, #tpu.memory_space<vmem>>, vector<16xf32>,
    %sub3A = arith.constant 1.000000e+00 : f32
    %sub3A_142 = vector.broadcast %sub3A : f32 to vector<16xf32>
    %sub3A_143 = arith.subf %sub3A_142, %div3A_138 : vector<16xf32>
    %swap3A_144 = arith.constant 0 : index
    %swap3A_145 = tpu.vector_load %arg9[%swap3A_144] {strides = array<i32>} : memref<256xf32, #tpu.memory_space<vmem>>, vector<16xf32>,
    %swap3A_146 = vector.shape_cast %swap3A_145 : vector<16xf32> to vector<16xf32>
    %swap3A_147 = vector.shape_cast %sub3A_143 : vector<16xf32> to vector<16xf32>
    tpu.vector_store %arg9[%swap3A_144], %swap3A_147 {strides = array<i32>} : memref<256xf32, #tpu.memory_space<vmem>>, vector<16xf32>,
    %get3A_148 = arith.constant 16 : index
    %get3A_149 = tpu.vector_load %arg7[%get3A_148] {strides = array<i32>} : memref<256xf32, #tpu.memory_space<vmem>>, vector<16xf32>,
    %get3A_150 = vector.shape_cast %get3A_149 : vector<16xf32> to vector<16xf32>
    %neg3A_151 = arith.constant 0.000000e+00 : f32
    %neg3A_152 = vector.broadcast %neg3A_151 : f32 to vector<16xf32>
    %neg3A_153 = arith.subf %neg3A_152, %get3A_150 : vector<16xf32>
    %exp3A_154 = math.exp %neg3A_153 : vector<16xf32>
    %add3A_155 = arith.constant 1.000000e+00 : f32
    %add3A_156 = vector.broadcast %add3A_155 : f32 to vector<16xf32>
    %add3A_157 = arith.addf %add3A_156, %exp3A_154 : vector<16xf32>
    %div3A_158 = arith.constant 1.000000e+00 : f32
    %div3A_159 = vector.broadcast %div3A_158 : f32 to vector<16xf32>
    %div3A_160 = arith.divf %div3A_159, %add3A_157 : vector<16xf32>
    %swap3A_161 = arith.constant 16 : index
    %swap3A_162 = tpu.vector_load %arg8[%swap3A_161] {strides = array<i32>} : memref<256xf32, #tpu.memory_space<vmem>>, vector<16xf32>,
    %swap3A_163 = vector.shape_cast %swap3A_162 : vector<16xf32> to vector<16xf32>
    %swap3A_164 = vector.shape_cast %div3A_160 : vector<16xf32> to vector<16xf32>
    tpu.vector_store %arg8[%swap3A_161], %swap3A_164 {strides = array<i32>} : memref<256xf32, #tpu.memory_space<vmem>>, vector<16xf32>,
    %sub3A_165 = arith.constant 1.000000e+00 : f32
    %sub3A_166 = vector.broadcast %sub3A_165 : f32 to vector<16xf32>
    %sub3A_167 = arith.subf %sub3A_166, %div3A_160 : vector<16xf32>
    %swap3A_168 = arith.constant 16 : index
    %swap3A_169 = tpu.vector_load %arg9[%swap3A_168] {strides = array<i32>} : memref<256xf32, #tpu.memory_space<vmem>>, vector<16xf32>,
    %swap3A_170 = vector.shape_cast %swap3A_169 : vector<16xf32> to vector<16xf32>
    %swap3A_171 = vector.shape_cast %sub3A_167 : vector<16xf32> to vector<16xf32>
    tpu.vector_store %arg9[%swap3A_168], %swap3A_171 {strides = array<i32>} : memref<256xf32, #tpu.memory_space<vmem>>, vector<16xf32>,
    %get3A_172 = arith.constant 32 : index
    %get3A_173 = tpu.vector_load %arg7[%get3A_172] {strides = array<i32>} : memref<256xf32, #tpu.memory_space<vmem>>, vector<16xf32>,
    %get3A_174 = vector.shape_cast %get3A_173 : vector<16xf32> to vector<16xf32>
    %neg3A_175 = arith.constant 0.000000e+00 : f32
    %neg3A_176 = vector.broadcast %neg3A_175 : f32 to vector<16xf32>
    %neg3A_177 = arith.subf %neg3A_176, %get3A_174 : vector<16xf32>
    %exp3A_178 = math.exp %neg3A_177 : vector<16xf32>
    %add3A_179 = arith.constant 1.000000e+00 : f32
    %add3A_180 = vector.broadcast %add3A_179 : f32 to vector<16xf32>
    %add3A_181 = arith.addf %add3A_180, %exp3A_178 : vector<16xf32>
    %div3A_182 = arith.constant 1.000000e+00 : f32
    %div3A_183 = vector.broadcast %div3A_182 : f32 to vector<16xf32>
    %div3A_184 = arith.divf %div3A_183, %add3A_181 : vector<16xf32>
    %swap3A_185 = arith.constant 32 : index
    %swap3A_186 = tpu.vector_load %arg8[%swap3A_185] {strides = array<i32>} : memref<256xf32, #tpu.memory_space<vmem>>, vector<16xf32>,
    %swap3A_187 = vector.shape_cast %swap3A_186 : vector<16xf32> to vector<16xf32>
    %swap3A_188 = vector.shape_cast %div3A_184 : vector<16xf32> to vector<16xf32>
    tpu.vector_store %arg8[%swap3A_185], %swap3A_188 {strides = array<i32>} : memref<256xf32, #tpu.memory_space<vmem>>, vector<16xf32>,
    %sub3A_189 = arith.constant 1.000000e+00 : f32
    %sub3A_190 = vector.broadcast %sub3A_189 : f32 to vector<16xf32>
    %sub3A_191 = arith.subf %sub3A_190, %div3A_184 : vector<16xf32>
    %swap3A_192 = arith.constant 32 : index
    %swap3A_193 = tpu.vector_load %arg9[%swap3A_192] {strides = array<i32>} : memref<256xf32, #tpu.memory_space<vmem>>, vector<16xf32>,
    %swap3A_194 = vector.shape_cast %swap3A_193 : vector<16xf32> to vector<16xf32>
    %swap3A_195 = vector.shape_cast %sub3A_191 : vector<16xf32> to vector<16xf32>
    tpu.vector_store %arg9[%swap3A_192], %swap3A_195 {strides = array<i32>} : memref<256xf32, #tpu.memory_space<vmem>>, vector<16xf32>,
    %get3A_196 = arith.constant 48 : index
    %get3A_197 = tpu.vector_load %arg7[%get3A_196] {strides = array<i32>} : memref<256xf32, #tpu.memory_space<vmem>>, vector<16xf32>,
    %get3A_198 = vector.shape_cast %get3A_197 : vector<16xf32> to vector<16xf32>
    %neg3A_199 = arith.constant 0.000000e+00 : f32
    %neg3A_200 = vector.broadcast %neg3A_199 : f32 to vector<16xf32>
    %neg3A_201 = arith.subf %neg3A_200, %get3A_198 : vector<16xf32>
    %exp3A_202 = math.exp %neg3A_201 : vector<16xf32>
    %add3A_203 = arith.constant 1.000000e+00 : f32
    %add3A_204 = vector.broadcast %add3A_203 : f32 to vector<16xf32>
    %add3A_205 = arith.addf %add3A_204, %exp3A_202 : vector<16xf32>
    %div3A_206 = arith.constant 1.000000e+00 : f32
    %div3A_207 = vector.broadcast %div3A_206 : f32 to vector<16xf32>
    %div3A_208 = arith.divf %div3A_207, %add3A_205 : vector<16xf32>
    %swap3A_209 = arith.constant 48 : index
    %swap3A_210 = tpu.vector_load %arg8[%swap3A_209] {strides = array<i32>} : memref<256xf32, #tpu.memory_space<vmem>>, vector<16xf32>,
    %swap3A_211 = vector.shape_cast %swap3A_210 : vector<16xf32> to vector<16xf32>
    %swap3A_212 = vector.shape_cast %div3A_208 : vector<16xf32> to vector<16xf32>
    tpu.vector_store %arg8[%swap3A_209], %swap3A_212 {strides = array<i32>} : memref<256xf32, #tpu.memory_space<vmem>>, vector<16xf32>,
    %sub3A_213 = arith.constant 1.000000e+00 : f32
    %sub3A_214 = vector.broadcast %sub3A_213 : f32 to vector<16xf32>
    %sub3A_215 = arith.subf %sub3A_214, %div3A_208 : vector<16xf32>
    %swap3A_216 = arith.constant 48 : index
    %swap3A_217 = tpu.vector_load %arg9[%swap3A_216] {strides = array<i32>} : memref<256xf32, #tpu.memory_space<vmem>>, vector<16xf32>,
    %swap3A_218 = vector.shape_cast %swap3A_217 : vector<16xf32> to vector<16xf32>
    %swap3A_219 = vector.shape_cast %sub3A_215 : vector<16xf32> to vector<16xf32>
    tpu.vector_store %arg9[%swap3A_216], %swap3A_219 {strides = array<i32>} : memref<256xf32, #tpu.memory_space<vmem>>, vector<16xf32>,
    %get3A_220 = arith.constant 64 : index
    %get3A_221 = tpu.vector_load %arg7[%get3A_220] {strides = array<i32>} : memref<256xf32, #tpu.memory_space<vmem>>, vector<16xf32>,
    %get3A_222 = vector.shape_cast %get3A_221 : vector<16xf32> to vector<16xf32>
    %neg3A_223 = arith.constant 0.000000e+00 : f32
    %neg3A_224 = vector.broadcast %neg3A_223 : f32 to vector<16xf32>
    %neg3A_225 = arith.subf %neg3A_224, %get3A_222 : vector<16xf32>
    %exp3A_226 = math.exp %neg3A_225 : vector<16xf32>
    %add3A_227 = arith.constant 1.000000e+00 : f32
    %add3A_228 = vector.broadcast %add3A_227 : f32 to vector<16xf32>
    %add3A_229 = arith.addf %add3A_228, %exp3A_226 : vector<16xf32>
    %div3A_230 = arith.constant 1.000000e+00 : f32
    %div3A_231 = vector.broadcast %div3A_230 : f32 to vector<16xf32>
    %div3A_232 = arith.divf %div3A_231, %add3A_229 : vector<16xf32>
    %swap3A_233 = arith.constant 64 : index
    %swap3A_234 = tpu.vector_load %arg8[%swap3A_233] {strides = array<i32>} : memref<256xf32, #tpu.memory_space<vmem>>, vector<16xf32>,
    %swap3A_235 = vector.shape_cast %swap3A_234 : vector<16xf32> to vector<16xf32>
    %swap3A_236 = vector.shape_cast %div3A_232 : vector<16xf32> to vector<16xf32>
    tpu.vector_store %arg8[%swap3A_233], %swap3A_236 {strides = array<i32>} : memref<256xf32, #tpu.memory_space<vmem>>, vector<16xf32>,
    %sub3A_237 = arith.constant 1.000000e+00 : f32
    %sub3A_238 = vector.broadcast %sub3A_237 : f32 to vector<16xf32>
    %sub3A_239 = arith.subf %sub3A_238, %div3A_232 : vector<16xf32>
    %swap3A_240 = arith.constant 64 : index
    %swap3A_241 = tpu.vector_load %arg9[%swap3A_240] {strides = array<i32>} : memref<256xf32, #tpu.memory_space<vmem>>, vector<16xf32>,
    %swap3A_242 = vector.shape_cast %swap3A_241 : vector<16xf32> to vector<16xf32>
    %swap3A_243 = vector.shape_cast %sub3A_239 : vector<16xf32> to vector<16xf32>
    tpu.vector_store %arg9[%swap3A_240], %swap3A_243 {strides = array<i32>} : memref<256xf32, #tpu.memory_space<vmem>>, vector<16xf32>,
    %get3A_244 = arith.constant 80 : index
    %get3A_245 = tpu.vector_load %arg7[%get3A_244] {strides = array<i32>} : memref<256xf32, #tpu.memory_space<vmem>>, vector<16xf32>,
    %get3A_246 = vector.shape_cast %get3A_245 : vector<16xf32> to vector<16xf32>
    %neg3A_247 = arith.constant 0.000000e+00 : f32
    %neg3A_248 = vector.broadcast %neg3A_247 : f32 to vector<16xf32>
    %neg3A_249 = arith.subf %neg3A_248, %get3A_246 : vector<16xf32>
    %exp3A_250 = math.exp %neg3A_249 : vector<16xf32>
    %add3A_251 = arith.constant 1.000000e+00 : f32
    %add3A_252 = vector.broadcast %add3A_251 : f32 to vector<16xf32>
    %add3A_253 = arith.addf %add3A_252, %exp3A_250 : vector<16xf32>
    %div3A_254 = arith.constant 1.000000e+00 : f32
    %div3A_255 = vector.broadcast %div3A_254 : f32 to vector<16xf32>
    %div3A_256 = arith.divf %div3A_255, %add3A_253 : vector<16xf32>
    %swap3A_257 = arith.constant 80 : index
    %swap3A_258 = tpu.vector_load %arg8[%swap3A_257] {strides = array<i32>} : memref<256xf32, #tpu.memory_space<vmem>>, vector<16xf32>,
    %swap3A_259 = vector.shape_cast %swap3A_258 : vector<16xf32> to vector<16xf32>
    %swap3A_260 = vector.shape_cast %div3A_256 : vector<16xf32> to vector<16xf32>
    tpu.vector_store %arg8[%swap3A_257], %swap3A_260 {strides = array<i32>} : memref<256xf32, #tpu.memory_space<vmem>>, vector<16xf32>,
    %sub3A_261 = arith.constant 1.000000e+00 : f32
    %sub3A_262 = vector.broadcast %sub3A_261 : f32 to vector<16xf32>
    %sub3A_263 = arith.subf %sub3A_262, %div3A_256 : vector<16xf32>
    %swap3A_264 = arith.constant 80 : index
    %swap3A_265 = tpu.vector_load %arg9[%swap3A_264] {strides = array<i32>} : memref<256xf32, #tpu.memory_space<vmem>>, vector<16xf32>,
    %swap3A_266 = vector.shape_cast %swap3A_265 : vector<16xf32> to vector<16xf32>
    %swap3A_267 = vector.shape_cast %sub3A_263 : vector<16xf32> to vector<16xf32>
    tpu.vector_store %arg9[%swap3A_264], %swap3A_267 {strides = array<i32>} : memref<256xf32, #tpu.memory_space<vmem>>, vector<16xf32>,
    %get3A_268 = arith.constant 96 : index
    %get3A_269 = tpu.vector_load %arg7[%get3A_268] {strides = array<i32>} : memref<256xf32, #tpu.memory_space<vmem>>, vector<16xf32>,
    %get3A_270 = vector.shape_cast %get3A_269 : vector<16xf32> to vector<16xf32>
    %neg3A_271 = arith.constant 0.000000e+00 : f32
    %neg3A_272 = vector.broadcast %neg3A_271 : f32 to vector<16xf32>
    %neg3A_273 = arith.subf %neg3A_272, %get3A_270 : vector<16xf32>
    %exp3A_274 = math.exp %neg3A_273 : vector<16xf32>
    %add3A_275 = arith.constant 1.000000e+00 : f32
    %add3A_276 = vector.broadcast %add3A_275 : f32 to vector<16xf32>
    %add3A_277 = arith.addf %add3A_276, %exp3A_274 : vector<16xf32>
    %div3A_278 = arith.constant 1.000000e+00 : f32
    %div3A_279 = vector.broadcast %div3A_278 : f32 to vector<16xf32>
    %div3A_280 = arith.divf %div3A_279, %add3A_277 : vector<16xf32>
    %swap3A_281 = arith.constant 96 : index
    %swap3A_282 = tpu.vector_load %arg8[%swap3A_281] {strides = array<i32>} : memref<256xf32, #tpu.memory_space<vmem>>, vector<16xf32>,
    %swap3A_283 = vector.shape_cast %swap3A_282 : vector<16xf32> to vector<16xf32>
    %swap3A_284 = vector.shape_cast %div3A_280 : vector<16xf32> to vector<16xf32>
    tpu.vector_store %arg8[%swap3A_281], %swap3A_284 {strides = array<i32>} : memref<256xf32, #tpu.memory_space<vmem>>, vector<16xf32>,
    %sub3A_285 = arith.constant 1.000000e+00 : f32
    %sub3A_286 = vector.broadcast %sub3A_285 : f32 to vector<16xf32>
    %sub3A_287 = arith.subf %sub3A_286, %div3A_280 : vector<16xf32>
    %swap3A_288 = arith.constant 96 : index
    %swap3A_289 = tpu.vector_load %arg9[%swap3A_288] {strides = array<i32>} : memref<256xf32, #tpu.memory_space<vmem>>, vector<16xf32>,
    %swap3A_290 = vector.shape_cast %swap3A_289 : vector<16xf32> to vector<16xf32>
    %swap3A_291 = vector.shape_cast %sub3A_287 : vector<16xf32> to vector<16xf32>
    tpu.vector_store %arg9[%swap3A_288], %swap3A_291 {strides = array<i32>} : memref<256xf32, #tpu.memory_space<vmem>>, vector<16xf32>,
    %get3A_292 = arith.constant 112 : index
    %get3A_293 = tpu.vector_load %arg7[%get3A_292] {strides = array<i32>} : memref<256xf32, #tpu.memory_space<vmem>>, vector<16xf32>,
    %get3A_294 = vector.shape_cast %get3A_293 : vector<16xf32> to vector<16xf32>
    %neg3A_295 = arith.constant 0.000000e+00 : f32
    %neg3A_296 = vector.broadcast %neg3A_295 : f32 to vector<16xf32>
    %neg3A_297 = arith.subf %neg3A_296, %get3A_294 : vector<16xf32>
    %exp3A_298 = math.exp %neg3A_297 : vector<16xf32>
    %add3A_299 = arith.constant 1.000000e+00 : f32
    %add3A_300 = vector.broadcast %add3A_299 : f32 to vector<16xf32>
    %add3A_301 = arith.addf %add3A_300, %exp3A_298 : vector<16xf32>
    %div3A_302 = arith.constant 1.000000e+00 : f32
    %div3A_303 = vector.broadcast %div3A_302 : f32 to vector<16xf32>
    %div3A_304 = arith.divf %div3A_303, %add3A_301 : vector<16xf32>
    %swap3A_305 = arith.constant 112 : index
    %swap3A_306 = tpu.vector_load %arg8[%swap3A_305] {strides = array<i32>} : memref<256xf32, #tpu.memory_space<vmem>>, vector<16xf32>,
    %swap3A_307 = vector.shape_cast %swap3A_306 : vector<16xf32> to vector<16xf32>
    %swap3A_308 = vector.shape_cast %div3A_304 : vector<16xf32> to vector<16xf32>
    tpu.vector_store %arg8[%swap3A_305], %swap3A_308 {strides = array<i32>} : memref<256xf32, #tpu.memory_space<vmem>>, vector<16xf32>,
    %sub3A_309 = arith.constant 1.000000e+00 : f32
    %sub3A_310 = vector.broadcast %sub3A_309 : f32 to vector<16xf32>
    %sub3A_311 = arith.subf %sub3A_310, %div3A_304 : vector<16xf32>
    %swap3A_312 = arith.constant 112 : index
    %swap3A_313 = tpu.vector_load %arg9[%swap3A_312] {strides = array<i32>} : memref<256xf32, #tpu.memory_space<vmem>>, vector<16xf32>,
    %swap3A_314 = vector.shape_cast %swap3A_313 : vector<16xf32> to vector<16xf32>
    %swap3A_315 = vector.shape_cast %sub3A_311 : vector<16xf32> to vector<16xf32>
    tpu.vector_store %arg9[%swap3A_312], %swap3A_315 {strides = array<i32>} : memref<256xf32, #tpu.memory_space<vmem>>, vector<16xf32>,
    %get3A_316 = arith.constant 128 : index
    %get3A_317 = tpu.vector_load %arg7[%get3A_316] {strides = array<i32>} : memref<256xf32, #tpu.memory_space<vmem>>, vector<16xf32>,
    %get3A_318 = vector.shape_cast %get3A_317 : vector<16xf32> to vector<16xf32>
    %neg3A_319 = arith.constant 0.000000e+00 : f32
    %neg3A_320 = vector.broadcast %neg3A_319 : f32 to vector<16xf32>
    %neg3A_321 = arith.subf %neg3A_320, %get3A_318 : vector<16xf32>
    %exp3A_322 = math.exp %neg3A_321 : vector<16xf32>
    %add3A_323 = arith.constant 1.000000e+00 : f32
    %add3A_324 = vector.broadcast %add3A_323 : f32 to vector<16xf32>
    %add3A_325 = arith.addf %add3A_324, %exp3A_322 : vector<16xf32>
    %div3A_326 = arith.constant 1.000000e+00 : f32
    %div3A_327 = vector.broadcast %div3A_326 : f32 to vector<16xf32>
    %div3A_328 = arith.divf %div3A_327, %add3A_325 : vector<16xf32>
    %swap3A_329 = arith.constant 128 : index
    %swap3A_330 = tpu.vector_load %arg8[%swap3A_329] {strides = array<i32>} : memref<256xf32, #tpu.memory_space<vmem>>, vector<16xf32>,
    %swap3A_331 = vector.shape_cast %swap3A_330 : vector<16xf32> to vector<16xf32>
    %swap3A_332 = vector.shape_cast %div3A_328 : vector<16xf32> to vector<16xf32>
    tpu.vector_store %arg8[%swap3A_329], %swap3A_332 {strides = array<i32>} : memref<256xf32, #tpu.memory_space<vmem>>, vector<16xf32>,
    %sub3A_333 = arith.constant 1.000000e+00 : f32
    %sub3A_334 = vector.broadcast %sub3A_333 : f32 to vector<16xf32>
    %sub3A_335 = arith.subf %sub3A_334, %div3A_328 : vector<16xf32>
    %swap3A_336 = arith.constant 128 : index
    %swap3A_337 = tpu.vector_load %arg9[%swap3A_336] {strides = array<i32>} : memref<256xf32, #tpu.memory_space<vmem>>, vector<16xf32>,
    %swap3A_338 = vector.shape_cast %swap3A_337 : vector<16xf32> to vector<16xf32>
    %swap3A_339 = vector.shape_cast %sub3A_335 : vector<16xf32> to vector<16xf32>
    tpu.vector_store %arg9[%swap3A_336], %swap3A_339 {strides = array<i32>} : memref<256xf32, #tpu.memory_space<vmem>>, vector<16xf32>,
    %get3A_340 = arith.constant 144 : index
    %get3A_341 = tpu.vector_load %arg7[%get3A_340] {strides = array<i32>} : memref<256xf32, #tpu.memory_space<vmem>>, vector<16xf32>,
    %get3A_342 = vector.shape_cast %get3A_341 : vector<16xf32> to vector<16xf32>
    %neg3A_343 = arith.constant 0.000000e+00 : f32
    %neg3A_344 = vector.broadcast %neg3A_343 : f32 to vector<16xf32>
    %neg3A_345 = arith.subf %neg3A_344, %get3A_342 : vector<16xf32>
    %exp3A_346 = math.exp %neg3A_345 : vector<16xf32>
    %add3A_347 = arith.constant 1.000000e+00 : f32
    %add3A_348 = vector.broadcast %add3A_347 : f32 to vector<16xf32>
    %add3A_349 = arith.addf %add3A_348, %exp3A_346 : vector<16xf32>
    %div3A_350 = arith.constant 1.000000e+00 : f32
    %div3A_351 = vector.broadcast %div3A_350 : f32 to vector<16xf32>
    %div3A_352 = arith.divf %div3A_351, %add3A_349 : vector<16xf32>
    %swap3A_353 = arith.constant 144 : index
    %swap3A_354 = tpu.vector_load %arg8[%swap3A_353] {strides = array<i32>} : memref<256xf32, #tpu.memory_space<vmem>>, vector<16xf32>,
    %swap3A_355 = vector.shape_cast %swap3A_354 : vector<16xf32> to vector<16xf32>
    %swap3A_356 = vector.shape_cast %div3A_352 : vector<16xf32> to vector<16xf32>
    tpu.vector_store %arg8[%swap3A_353], %swap3A_356 {strides = array<i32>} : memref<256xf32, #tpu.memory_space<vmem>>, vector<16xf32>,
    %sub3A_357 = arith.constant 1.000000e+00 : f32
    %sub3A_358 = vector.broadcast %sub3A_357 : f32 to vector<16xf32>
    %sub3A_359 = arith.subf %sub3A_358, %div3A_352 : vector<16xf32>
    %swap3A_360 = arith.constant 144 : index
    %swap3A_361 = tpu.vector_load %arg9[%swap3A_360] {strides = array<i32>} : memref<256xf32, #tpu.memory_space<vmem>>, vector<16xf32>,
    %swap3A_362 = vector.shape_cast %swap3A_361 : vector<16xf32> to vector<16xf32>
    %swap3A_363 = vector.shape_cast %sub3A_359 : vector<16xf32> to vector<16xf32>
    tpu.vector_store %arg9[%swap3A_360], %swap3A_363 {strides = array<i32>} : memref<256xf32, #tpu.memory_space<vmem>>, vector<16xf32>,
    %get3A_364 = arith.constant 160 : index
    %get3A_365 = tpu.vector_load %arg7[%get3A_364] {strides = array<i32>} : memref<256xf32, #tpu.memory_space<vmem>>, vector<16xf32>,
    %get3A_366 = vector.shape_cast %get3A_365 : vector<16xf32> to vector<16xf32>
    %neg3A_367 = arith.constant 0.000000e+00 : f32
    %neg3A_368 = vector.broadcast %neg3A_367 : f32 to vector<16xf32>
    %neg3A_369 = arith.subf %neg3A_368, %get3A_366 : vector<16xf32>
    %exp3A_370 = math.exp %neg3A_369 : vector<16xf32>
    %add3A_371 = arith.constant 1.000000e+00 : f32
    %add3A_372 = vector.broadcast %add3A_371 : f32 to vector<16xf32>
    %add3A_373 = arith.addf %add3A_372, %exp3A_370 : vector<16xf32>
    %div3A_374 = arith.constant 1.000000e+00 : f32
    %div3A_375 = vector.broadcast %div3A_374 : f32 to vector<16xf32>
    %div3A_376 = arith.divf %div3A_375, %add3A_373 : vector<16xf32>
    %swap3A_377 = arith.constant 160 : index
    %swap3A_378 = tpu.vector_load %arg8[%swap3A_377] {strides = array<i32>} : memref<256xf32, #tpu.memory_space<vmem>>, vector<16xf32>,
    %swap3A_379 = vector.shape_cast %swap3A_378 : vector<16xf32> to vector<16xf32>
    %swap3A_380 = vector.shape_cast %div3A_376 : vector<16xf32> to vector<16xf32>
    tpu.vector_store %arg8[%swap3A_377], %swap3A_380 {strides = array<i32>} : memref<256xf32, #tpu.memory_space<vmem>>, vector<16xf32>,
    %sub3A_381 = arith.constant 1.000000e+00 : f32
    %sub3A_382 = vector.broadcast %sub3A_381 : f32 to vector<16xf32>
    %sub3A_383 = arith.subf %sub3A_382, %div3A_376 : vector<16xf32>
    %swap3A_384 = arith.constant 160 : index
    %swap3A_385 = tpu.vector_load %arg9[%swap3A_384] {strides = array<i32>} : memref<256xf32, #tpu.memory_space<vmem>>, vector<16xf32>,
    %swap3A_386 = vector.shape_cast %swap3A_385 : vector<16xf32> to vector<16xf32>
    %swap3A_387 = vector.shape_cast %sub3A_383 : vector<16xf32> to vector<16xf32>
    tpu.vector_store %arg9[%swap3A_384], %swap3A_387 {strides = array<i32>} : memref<256xf32, #tpu.memory_space<vmem>>, vector<16xf32>,
    %get3A_388 = arith.constant 176 : index
    %get3A_389 = tpu.vector_load %arg7[%get3A_388] {strides = array<i32>} : memref<256xf32, #tpu.memory_space<vmem>>, vector<16xf32>,
    %get3A_390 = vector.shape_cast %get3A_389 : vector<16xf32> to vector<16xf32>
    %neg3A_391 = arith.constant 0.000000e+00 : f32
    %neg3A_392 = vector.broadcast %neg3A_391 : f32 to vector<16xf32>
    %neg3A_393 = arith.subf %neg3A_392, %get3A_390 : vector<16xf32>
    %exp3A_394 = math.exp %neg3A_393 : vector<16xf32>
    %add3A_395 = arith.constant 1.000000e+00 : f32
    %add3A_396 = vector.broadcast %add3A_395 : f32 to vector<16xf32>
    %add3A_397 = arith.addf %add3A_396, %exp3A_394 : vector<16xf32>
    %div3A_398 = arith.constant 1.000000e+00 : f32
    %div3A_399 = vector.broadcast %div3A_398 : f32 to vector<16xf32>
    %div3A_400 = arith.divf %div3A_399, %add3A_397 : vector<16xf32>
    %swap3A_401 = arith.constant 176 : index
    %swap3A_402 = tpu.vector_load %arg8[%swap3A_401] {strides = array<i32>} : memref<256xf32, #tpu.memory_space<vmem>>, vector<16xf32>,
    %swap3A_403 = vector.shape_cast %swap3A_402 : vector<16xf32> to vector<16xf32>
    %swap3A_404 = vector.shape_cast %div3A_400 : vector<16xf32> to vector<16xf32>
    tpu.vector_store %arg8[%swap3A_401], %swap3A_404 {strides = array<i32>} : memref<256xf32, #tpu.memory_space<vmem>>, vector<16xf32>,
    %sub3A_405 = arith.constant 1.000000e+00 : f32
    %sub3A_406 = vector.broadcast %sub3A_405 : f32 to vector<16xf32>
    %sub3A_407 = arith.subf %sub3A_406, %div3A_400 : vector<16xf32>
    %swap3A_408 = arith.constant 176 : index
    %swap3A_409 = tpu.vector_load %arg9[%swap3A_408] {strides = array<i32>} : memref<256xf32, #tpu.memory_space<vmem>>, vector<16xf32>,
    %swap3A_410 = vector.shape_cast %swap3A_409 : vector<16xf32> to vector<16xf32>
    %swap3A_411 = vector.shape_cast %sub3A_407 : vector<16xf32> to vector<16xf32>
    tpu.vector_store %arg9[%swap3A_408], %swap3A_411 {strides = array<i32>} : memref<256xf32, #tpu.memory_space<vmem>>, vector<16xf32>,
    %get3A_412 = arith.constant 192 : index
    %get3A_413 = tpu.vector_load %arg7[%get3A_412] {strides = array<i32>} : memref<256xf32, #tpu.memory_space<vmem>>, vector<16xf32>,
    %get3A_414 = vector.shape_cast %get3A_413 : vector<16xf32> to vector<16xf32>
    %neg3A_415 = arith.constant 0.000000e+00 : f32
    %neg3A_416 = vector.broadcast %neg3A_415 : f32 to vector<16xf32>
    %neg3A_417 = arith.subf %neg3A_416, %get3A_414 : vector<16xf32>
    %exp3A_418 = math.exp %neg3A_417 : vector<16xf32>
    %add3A_419 = arith.constant 1.000000e+00 : f32
    %add3A_420 = vector.broadcast %add3A_419 : f32 to vector<16xf32>
    %add3A_421 = arith.addf %add3A_420, %exp3A_418 : vector<16xf32>
    %div3A_422 = arith.constant 1.000000e+00 : f32
    %div3A_423 = vector.broadcast %div3A_422 : f32 to vector<16xf32>
    %div3A_424 = arith.divf %div3A_423, %add3A_421 : vector<16xf32>
    %swap3A_425 = arith.constant 192 : index
    %swap3A_426 = tpu.vector_load %arg8[%swap3A_425] {strides = array<i32>} : memref<256xf32, #tpu.memory_space<vmem>>, vector<16xf32>,
    %swap3A_427 = vector.shape_cast %swap3A_426 : vector<16xf32> to vector<16xf32>
    %swap3A_428 = vector.shape_cast %div3A_424 : vector<16xf32> to vector<16xf32>
    tpu.vector_store %arg8[%swap3A_425], %swap3A_428 {strides = array<i32>} : memref<256xf32, #tpu.memory_space<vmem>>, vector<16xf32>,
    %sub3A_429 = arith.constant 1.000000e+00 : f32
    %sub3A_430 = vector.broadcast %sub3A_429 : f32 to vector<16xf32>
    %sub3A_431 = arith.subf %sub3A_430, %div3A_424 : vector<16xf32>
    %swap3A_432 = arith.constant 192 : index
    %swap3A_433 = tpu.vector_load %arg9[%swap3A_432] {strides = array<i32>} : memref<256xf32, #tpu.memory_space<vmem>>, vector<16xf32>,
    %swap3A_434 = vector.shape_cast %swap3A_433 : vector<16xf32> to vector<16xf32>
    %swap3A_435 = vector.shape_cast %sub3A_431 : vector<16xf32> to vector<16xf32>
    tpu.vector_store %arg9[%swap3A_432], %swap3A_435 {strides = array<i32>} : memref<256xf32, #tpu.memory_space<vmem>>, vector<16xf32>,
    %get3A_436 = arith.constant 208 : index
    %get3A_437 = tpu.vector_load %arg7[%get3A_436] {strides = array<i32>} : memref<256xf32, #tpu.memory_space<vmem>>, vector<16xf32>,
    %get3A_438 = vector.shape_cast %get3A_437 : vector<16xf32> to vector<16xf32>
    %neg3A_439 = arith.constant 0.000000e+00 : f32
    %neg3A_440 = vector.broadcast %neg3A_439 : f32 to vector<16xf32>
    %neg3A_441 = arith.subf %neg3A_440, %get3A_438 : vector<16xf32>
    %exp3A_442 = math.exp %neg3A_441 : vector<16xf32>
    %add3A_443 = arith.constant 1.000000e+00 : f32
    %add3A_444 = vector.broadcast %add3A_443 : f32 to vector<16xf32>
    %add3A_445 = arith.addf %add3A_444, %exp3A_442 : vector<16xf32>
    %div3A_446 = arith.constant 1.000000e+00 : f32
    %div3A_447 = vector.broadcast %div3A_446 : f32 to vector<16xf32>
    %div3A_448 = arith.divf %div3A_447, %add3A_445 : vector<16xf32>
    %swap3A_449 = arith.constant 208 : index
    %swap3A_450 = tpu.vector_load %arg8[%swap3A_449] {strides = array<i32>} : memref<256xf32, #tpu.memory_space<vmem>>, vector<16xf32>,
    %swap3A_451 = vector.shape_cast %swap3A_450 : vector<16xf32> to vector<16xf32>
    %swap3A_452 = vector.shape_cast %div3A_448 : vector<16xf32> to vector<16xf32>
    tpu.vector_store %arg8[%swap3A_449], %swap3A_452 {strides = array<i32>} : memref<256xf32, #tpu.memory_space<vmem>>, vector<16xf32>,
    %sub3A_453 = arith.constant 1.000000e+00 : f32
    %sub3A_454 = vector.broadcast %sub3A_453 : f32 to vector<16xf32>
    %sub3A_455 = arith.subf %sub3A_454, %div3A_448 : vector<16xf32>
    %swap3A_456 = arith.constant 208 : index
    %swap3A_457 = tpu.vector_load %arg9[%swap3A_456] {strides = array<i32>} : memref<256xf32, #tpu.memory_space<vmem>>, vector<16xf32>,
    %swap3A_458 = vector.shape_cast %swap3A_457 : vector<16xf32> to vector<16xf32>
    %swap3A_459 = vector.shape_cast %sub3A_455 : vector<16xf32> to vector<16xf32>
    tpu.vector_store %arg9[%swap3A_456], %swap3A_459 {strides = array<i32>} : memref<256xf32, #tpu.memory_space<vmem>>, vector<16xf32>,
    %get3A_460 = arith.constant 224 : index
    %get3A_461 = tpu.vector_load %arg7[%get3A_460] {strides = array<i32>} : memref<256xf32, #tpu.memory_space<vmem>>, vector<16xf32>,
    %get3A_462 = vector.shape_cast %get3A_461 : vector<16xf32> to vector<16xf32>
    %neg3A_463 = arith.constant 0.000000e+00 : f32
    %neg3A_464 = vector.broadcast %neg3A_463 : f32 to vector<16xf32>
    %neg3A_465 = arith.subf %neg3A_464, %get3A_462 : vector<16xf32>
    %exp3A_466 = math.exp %neg3A_465 : vector<16xf32>
    %add3A_467 = arith.constant 1.000000e+00 : f32
    %add3A_468 = vector.broadcast %add3A_467 : f32 to vector<16xf32>
    %add3A_469 = arith.addf %add3A_468, %exp3A_466 : vector<16xf32>
    %div3A_470 = arith.constant 1.000000e+00 : f32
    %div3A_471 = vector.broadcast %div3A_470 : f32 to vector<16xf32>
    %div3A_472 = arith.divf %div3A_471, %add3A_469 : vector<16xf32>
    %swap3A_473 = arith.constant 224 : index
    %swap3A_474 = tpu.vector_load %arg8[%swap3A_473] {strides = array<i32>} : memref<256xf32, #tpu.memory_space<vmem>>, vector<16xf32>,
    %swap3A_475 = vector.shape_cast %swap3A_474 : vector<16xf32> to vector<16xf32>
    %swap3A_476 = vector.shape_cast %div3A_472 : vector<16xf32> to vector<16xf32>
    tpu.vector_store %arg8[%swap3A_473], %swap3A_476 {strides = array<i32>} : memref<256xf32, #tpu.memory_space<vmem>>, vector<16xf32>,
    %sub3A_477 = arith.constant 1.000000e+00 : f32
    %sub3A_478 = vector.broadcast %sub3A_477 : f32 to vector<16xf32>
    %sub3A_479 = arith.subf %sub3A_478, %div3A_472 : vector<16xf32>
    %swap3A_480 = arith.constant 224 : index
    %swap3A_481 = tpu.vector_load %arg9[%swap3A_480] {strides = array<i32>} : memref<256xf32, #tpu.memory_space<vmem>>, vector<16xf32>,
    %swap3A_482 = vector.shape_cast %swap3A_481 : vector<16xf32> to vector<16xf32>
    %swap3A_483 = vector.shape_cast %sub3A_479 : vector<16xf32> to vector<16xf32>
    tpu.vector_store %arg9[%swap3A_480], %swap3A_483 {strides = array<i32>} : memref<256xf32, #tpu.memory_space<vmem>>, vector<16xf32>,
    %get3A_484 = arith.constant 240 : index
    %get3A_485 = tpu.vector_load %arg7[%get3A_484] {strides = array<i32>} : memref<256xf32, #tpu.memory_space<vmem>>, vector<16xf32>,
    %get3A_486 = vector.shape_cast %get3A_485 : vector<16xf32> to vector<16xf32>
    %neg3A_487 = arith.constant 0.000000e+00 : f32
    %neg3A_488 = vector.broadcast %neg3A_487 : f32 to vector<16xf32>
    %neg3A_489 = arith.subf %neg3A_488, %get3A_486 : vector<16xf32>
    %exp3A_490 = math.exp %neg3A_489 : vector<16xf32>
    %add3A_491 = arith.constant 1.000000e+00 : f32
    %add3A_492 = vector.broadcast %add3A_491 : f32 to vector<16xf32>
    %add3A_493 = arith.addf %add3A_492, %exp3A_490 : vector<16xf32>
    %div3A_494 = arith.constant 1.000000e+00 : f32
    %div3A_495 = vector.broadcast %div3A_494 : f32 to vector<16xf32>
    %div3A_496 = arith.divf %div3A_495, %add3A_493 : vector<16xf32>
    %swap3A_497 = arith.constant 240 : index
    %swap3A_498 = tpu.vector_load %arg8[%swap3A_497] {strides = array<i32>} : memref<256xf32, #tpu.memory_space<vmem>>, vector<16xf32>,
    %swap3A_499 = vector.shape_cast %swap3A_498 : vector<16xf32> to vector<16xf32>
    %swap3A_500 = vector.shape_cast %div3A_496 : vector<16xf32> to vector<16xf32>
    tpu.vector_store %arg8[%swap3A_497], %swap3A_500 {strides = array<i32>} : memref<256xf32, #tpu.memory_space<vmem>>, vector<16xf32>,
    %sub3A_501 = arith.constant 1.000000e+00 : f32
    %sub3A_502 = vector.broadcast %sub3A_501 : f32 to vector<16xf32>
    %sub3A_503 = arith.subf %sub3A_502, %div3A_496 : vector<16xf32>
    %swap3A_504 = arith.constant 240 : index
    %swap3A_505 = tpu.vector_load %arg9[%swap3A_504] {strides = array<i32>} : memref<256xf32, #tpu.memory_space<vmem>>, vector<16xf32>,
    %swap3A_506 = vector.shape_cast %swap3A_505 : vector<16xf32> to vector<16xf32>
    %swap3A_507 = vector.shape_cast %sub3A_503 : vector<16xf32> to vector<16xf32>
    tpu.vector_store %arg9[%swap3A_504], %swap3A_507 {strides = array<i32>} : memref<256xf32, #tpu.memory_space<vmem>>, vector<16xf32>,
    %scan3A = arith.constant 0 : i32
    %scan3A_508 = arith.constant 0 : i32
    %scan3A_509 = arith.constant 4 : i32
    %scan3A_510 = arith.addi %scan3A_508, %scan3A_509 : i32
    %scan3A_511 = arith.constant 1 : i32
    scf.for %scan3A_542 = %scan3A_508 to %scan3A_510 step %scan3A_511  : i32 {
      %mul3A_543 = arith.constant 4 : i32
      %mul3A_544 = arith.muli %mul3A_543, %scan3A_542 : i32
      %add3A_545 = arith.constant 0 : i32
      %add3A_546 = arith.addi %mul3A_544, %add3A_545 : i32
      %mul3A_547 = arith.constant 32 : i32
      %mul3A_548 = arith.muli %add3A_546, %mul3A_547 : i32
      %add3A_549 = arith.addi %mul3A_2, %mul3A_548 : i32
      %dma_wait3A_550 = arith.constant 0 : i32
      %dma_wait3A_551 = arith.constant 0 : i32
      %dma_wait3A_552 = arith.constant 0 : i32
      %dma_wait3A_553 = tpu.memref_slice %arg5[%dma_wait3A_550, %dma_wait3A_551, %dma_wait3A_552] : memref<4x32x512xf32, #tpu.memory_space<vmem>> -> memref<1x32x512xf32, #tpu.memory_space<vmem>>
      %dma_wait3A_554 = tpu.memref_squeeze %dma_wait3A_553 : memref<1x32x512xf32, #tpu.memory_space<vmem>> -> memref<32x512xf32, #tpu.memory_space<vmem>>
      %dma_wait3A_555 = arith.constant 0 : i32
      %dma_wait3A_556 = tpu.memref_slice %arg2[%add3A_549, %dma_wait3A_555] : memref<16384x512xf32, #tpu.memory_space<hbm>> -> memref<32x512xf32, #tpu.memory_space<hbm>>
      %dma_wait3A_557 = arith.constant 0 : i32
      %dma_wait3A_558 = arith.constant 0 : i32
      %dma_wait3A_559 = tpu.memref_slice %arg5[%dma_wait3A_550, %dma_wait3A_557, %dma_wait3A_558] : memref<4x32x512xf32, #tpu.memory_space<vmem>> -> memref<1x32x512xf32, #tpu.memory_space<vmem>>
      %dma_wait3A_560 = tpu.memref_squeeze %dma_wait3A_559 : memref<1x32x512xf32, #tpu.memory_space<vmem>> -> memref<32x512xf32, #tpu.memory_space<vmem>>
      %dma_wait3A_561 = arith.constant 0 : i32
      %dma_wait3A_562 = tpu.memref_slice %arg2[%add3A_549, %dma_wait3A_561] : memref<16384x512xf32, #tpu.memory_space<hbm>> -> memref<32x512xf32, #tpu.memory_space<hbm>>
      tpu.wait_dma2 semaphore(%arg10 : memref<!tpu.dma_semaphore, #tpu.memory_space<semaphore_mem>>) src(%dma_wait3A_562 : memref<32x512xf32, #tpu.memory_space<hbm>>) dst(%dma_wait3A_560 : memref<32x512xf32, #tpu.memory_space<vmem>>)
      %ge3A = arith.constant 1 : i32
      %ge3A_563 = arith.cmpi sge, %scan3A_542, %ge3A : i32
      %convert_element_type3A = arith.extui %ge3A_563 : i1 to i32
      %cond3A = arith.constant 0 : i32
      %cond3A_564 = arith.cmpi ne, %convert_element_type3A, %cond3A : i32
      scf.if %cond3A_564 {
        %sub3A_781 = arith.constant 2 : i32
        %sub3A_782 = arith.subi %add3A_546, %sub3A_781 : i32
        %mul3A_783 = arith.constant 32 : i32
        %mul3A_784 = arith.muli %sub3A_782, %mul3A_783 : i32
        %add3A_785 = arith.addi %mul3A_2, %mul3A_784 : i32
        %dma_wait3A_786 = arith.constant 0 : i32
        %dma_wait3A_787 = arith.constant 0 : i32
        %dma_wait3A_788 = arith.constant 0 : i32
        %dma_wait3A_789 = tpu.memref_slice %arg6[%dma_wait3A_786, %dma_wait3A_787, %dma_wait3A_788] : memref<2x32x256xf32, #tpu.memory_space<vmem>> -> memref<1x32x256xf32, #tpu.memory_space<vmem>>
        %dma_wait3A_790 = tpu.memref_squeeze %dma_wait3A_789 : memref<1x32x256xf32, #tpu.memory_space<vmem>> -> memref<32x256xf32, #tpu.memory_space<vmem>>
        %dma_wait3A_791 = arith.constant 0 : i32
        %dma_wait3A_792 = tpu.memref_slice %arg4[%add3A_785, %dma_wait3A_791] : memref<16384x256xf32, #tpu.memory_space<hbm>> -> memref<32x256xf32, #tpu.memory_space<hbm>>
        %dma_wait3A_793 = arith.constant 0 : i32
        %dma_wait3A_794 = tpu.memref_slice %arg4[%add3A_785, %dma_wait3A_793] : memref<16384x256xf32, #tpu.memory_space<hbm>> -> memref<32x256xf32, #tpu.memory_space<hbm>>
        %dma_wait3A_795 = arith.constant 0 : i32
        %dma_wait3A_796 = arith.constant 0 : i32
        %dma_wait3A_797 = tpu.memref_slice %arg6[%dma_wait3A_786, %dma_wait3A_795, %dma_wait3A_796] : memref<2x32x256xf32, #tpu.memory_space<vmem>> -> memref<1x32x256xf32, #tpu.memory_space<vmem>>
        %dma_wait3A_798 = tpu.memref_squeeze %dma_wait3A_797 : memref<1x32x256xf32, #tpu.memory_space<vmem>> -> memref<32x256xf32, #tpu.memory_space<vmem>>
        tpu.wait_dma2 semaphore(%arg18 : memref<!tpu.dma_semaphore, #tpu.memory_space<semaphore_mem>>) src(%dma_wait3A_798 : memref<32x256xf32, #tpu.memory_space<vmem>>) dst(%dma_wait3A_794 : memref<32x256xf32, #tpu.memory_space<hbm>>)
      } else {
      }
      %scan3A_565 = arith.constant 0 : i32
      %scan3A_566 = arith.constant 0 : i32
      %scan3A_567 = arith.constant 0 : i32
      %scan3A_568 = arith.constant 0 : i32
      %scan3A_569 = arith.constant 16 : i32
      %scan3A_570 = arith.addi %scan3A_568, %scan3A_569 : i32
      %scan3A_571 = arith.constant 1 : i32
      scf.for %scan3A_781 = %scan3A_568 to %scan3A_570 step %scan3A_571  : i32 {
        %mul3A_782 = arith.constant 16 : i32
        %mul3A_783 = arith.muli %scan3A_781, %mul3A_782 : i32
        %get3A_784 = arith.index_cast %mul3A_783 : i32 to index
        %get3A_785 = tpu.vector_load %arg8[%get3A_784] {strides = array<i32>} : memref<256xf32, #tpu.memory_space<vmem>>, vector<16xf32>,
        %get3A_786 = vector.shape_cast %get3A_785 : vector<16xf32> to vector<16xf32>
        %mul3A_787 = arith.constant 16 : i32
        %mul3A_788 = arith.muli %scan3A_781, %mul3A_787 : i32
        %get3A_789 = arith.index_cast %mul3A_788 : i32 to index
        %get3A_790 = tpu.vector_load %arg9[%get3A_789] {strides = array<i32>} : memref<256xf32, #tpu.memory_space<vmem>>, vector<16xf32>,
        %get3A_791 = vector.shape_cast %get3A_790 : vector<16xf32> to vector<16xf32>
        %parallel_loop3A = arith.constant 0 : i32
        %parallel_loop3A_792 = arith.constant 32 : i32
        %parallel_loop3A_793 = arith.constant 1 : i32
        scf.for %parallel_loop3A_794 = %parallel_loop3A to %parallel_loop3A_792 step %parallel_loop3A_793  : i32 {
          %parallel_loop3A_795 = arith.constant 16 : i32
          %parallel_loop3A_796 = arith.muli %scan3A_781, %parallel_loop3A_795 : i32
          %parallel_loop3A_797 = arith.constant 0 : i32
          %parallel_loop3A_798 = arith.constant 0 : i32
          %parallel_loop3A_799 = tpu.memref_slice %arg5[%scan3A_566, %parallel_loop3A_797, %parallel_loop3A_798] : memref<4x32x512xf32, #tpu.memory_space<vmem>> -> memref<1x32x512xf32, #tpu.memory_space<vmem>>
          %parallel_loop3A_800 = tpu.memref_squeeze %parallel_loop3A_799 : memref<1x32x512xf32, #tpu.memory_space<vmem>> -> memref<32x512xf32, #tpu.memory_space<vmem>>
          %parallel_loop3A_801 = arith.index_cast %parallel_loop3A_794 : i32 to index
          %parallel_loop3A_802 = arith.index_cast %parallel_loop3A_796 : i32 to index
          %parallel_loop3A_803 = tpu.vector_load %parallel_loop3A_800[%parallel_loop3A_801, %parallel_loop3A_802] {strides = array<i32>} : memref<32x512xf32, #tpu.memory_space<vmem>>, vector<1x16xf32>,
          %parallel_loop3A_804 = vector.shape_cast %parallel_loop3A_803 : vector<1x16xf32> to vector<16xf32>
          %parallel_loop3A_805 = arith.constant 16 : i32
          %parallel_loop3A_806 = arith.muli %scan3A_781, %parallel_loop3A_805 : i32
          %parallel_loop3A_807 = arith.constant 256 : i32
          %parallel_loop3A_808 = arith.addi %parallel_loop3A_807, %parallel_loop3A_806 : i32
          %parallel_loop3A_809 = arith.constant 0 : i32
          %parallel_loop3A_810 = arith.constant 0 : i32
          %parallel_loop3A_811 = tpu.memref_slice %arg5[%scan3A_566, %parallel_loop3A_809, %parallel_loop3A_810] : memref<4x32x512xf32, #tpu.memory_space<vmem>> -> memref<1x32x512xf32, #tpu.memory_space<vmem>>
          %parallel_loop3A_812 = tpu.memref_squeeze %parallel_loop3A_811 : memref<1x32x512xf32, #tpu.memory_space<vmem>> -> memref<32x512xf32, #tpu.memory_space<vmem>>
          %parallel_loop3A_813 = arith.index_cast %parallel_loop3A_794 : i32 to index
          %parallel_loop3A_814 = arith.index_cast %parallel_loop3A_808 : i32 to index
          %parallel_loop3A_815 = tpu.vector_load %parallel_loop3A_812[%parallel_loop3A_813, %parallel_loop3A_814] {strides = array<i32>} : memref<32x512xf32, #tpu.memory_space<vmem>>, vector<1x16xf32>,
          %parallel_loop3A_816 = vector.shape_cast %parallel_loop3A_815 : vector<1x16xf32> to vector<16xf32>
          %parallel_loop3A_817 = arith.mulf %parallel_loop3A_804, %get3A_786 : vector<16xf32>
          %parallel_loop3A_818 = arith.mulf %parallel_loop3A_816, %get3A_791 : vector<16xf32>
          %parallel_loop3A_819 = arith.addf %parallel_loop3A_817, %parallel_loop3A_818 : vector<16xf32>
          %parallel_loop3A_820 = arith.constant 16 : i32
          %parallel_loop3A_821 = arith.muli %scan3A_781, %parallel_loop3A_820 : i32
          %parallel_loop3A_822 = arith.constant 0 : i32
          %parallel_loop3A_823 = arith.constant 0 : i32
          %parallel_loop3A_824 = tpu.memref_slice %arg6[%scan3A_567, %parallel_loop3A_822, %parallel_loop3A_823] : memref<2x32x256xf32, #tpu.memory_space<vmem>> -> memref<1x32x256xf32, #tpu.memory_space<vmem>>
          %parallel_loop3A_825 = tpu.memref_squeeze %parallel_loop3A_824 : memref<1x32x256xf32, #tpu.memory_space<vmem>> -> memref<32x256xf32, #tpu.memory_space<vmem>>
          %parallel_loop3A_826 = arith.index_cast %parallel_loop3A_794 : i32 to index
          %parallel_loop3A_827 = arith.index_cast %parallel_loop3A_821 : i32 to index
          %parallel_loop3A_828 = tpu.vector_load %parallel_loop3A_825[%parallel_loop3A_826, %parallel_loop3A_827] {strides = array<i32>} : memref<32x256xf32, #tpu.memory_space<vmem>>, vector<1x16xf32>,
          %parallel_loop3A_829 = vector.shape_cast %parallel_loop3A_828 : vector<1x16xf32> to vector<16xf32>
          %parallel_loop3A_830 = vector.shape_cast %parallel_loop3A_819 : vector<16xf32> to vector<1x16xf32>
          tpu.vector_store %parallel_loop3A_825[%parallel_loop3A_826, %parallel_loop3A_827], %parallel_loop3A_830 {strides = array<i32>} : memref<32x256xf32, #tpu.memory_space<vmem>>, vector<1x16xf32>,
        } {sc.loop_unroll_factor = 4 : i64, sc.parallel_access}
      }
      %scan3A_572 = arith.constant 16 : i32
      %lt3A = arith.constant 3 : i32
      %lt3A_573 = arith.cmpi slt, %scan3A_542, %lt3A : i32
      %convert_element_type3A_574 = arith.extui %lt3A_573 : i1 to i32
      %cond3A_575 = arith.constant 0 : i32
      %cond3A_576 = arith.cmpi ne, %convert_element_type3A_574, %cond3A_575 : i32
      scf.if %cond3A_576 {
        %add3A_781 = arith.constant 4 : i32
        %add3A_782 = arith.addi %add3A_546, %add3A_781 : i32
        %mul3A_783 = arith.constant 32 : i32
        %mul3A_784 = arith.muli %add3A_782, %mul3A_783 : i32
        %add3A_785 = arith.addi %mul3A_2, %mul3A_784 : i32
        %dma_start3A_786 = arith.constant 0 : i32
        %dma_start3A_787 = arith.constant 0 : i32
        %dma_start3A_788 = arith.constant 0 : i32
        %dma_start3A_789 = tpu.memref_slice %arg5[%dma_start3A_786, %dma_start3A_787, %dma_start3A_788] : memref<4x32x512xf32, #tpu.memory_space<vmem>> -> memref<1x16x512xf32, #tpu.memory_space<vmem>>
        %dma_start3A_790 = tpu.memref_squeeze %dma_start3A_789 : memref<1x16x512xf32, #tpu.memory_space<vmem>> -> memref<16x512xf32, #tpu.memory_space<vmem>>
        %dma_start3A_791 = arith.constant 0 : i32
        %dma_start3A_792 = tpu.memref_slice %arg2[%add3A_785, %dma_start3A_791] : memref<16384x512xf32, #tpu.memory_space<hbm>> -> memref<16x512xf32, #tpu.memory_space<hbm>>
        %dma_start3A_793 = arith.constant 0 : i32
        %dma_start3A_794 = arith.constant 0 : i32
        %dma_start3A_795 = tpu.memref_slice %arg5[%dma_start3A_786, %dma_start3A_793, %dma_start3A_794] : memref<4x32x512xf32, #tpu.memory_space<vmem>> -> memref<1x16x512xf32, #tpu.memory_space<vmem>>
        %dma_start3A_796 = tpu.memref_squeeze %dma_start3A_795 : memref<1x16x512xf32, #tpu.memory_space<vmem>> -> memref<16x512xf32, #tpu.memory_space<vmem>>
        %dma_start3A_797 = arith.constant 0 : i32
        %dma_start3A_798 = tpu.memref_slice %arg2[%add3A_785, %dma_start3A_797] : memref<16384x512xf32, #tpu.memory_space<hbm>> -> memref<16x512xf32, #tpu.memory_space<hbm>>
        tpu.enqueue_dma source(%dma_start3A_798 : memref<16x512xf32, #tpu.memory_space<hbm>>) target(%dma_start3A_796 : memref<16x512xf32, #tpu.memory_space<vmem>>) target_semaphore(%arg10 : memref<!tpu.dma_semaphore, #tpu.memory_space<semaphore_mem>>)
        %mul3A_799 = arith.constant 32 : i32
        %mul3A_800 = arith.muli %add3A_782, %mul3A_799 : i32
        %add3A_801 = arith.addi %mul3A_2, %mul3A_800 : i32
        %add3A_802 = arith.constant 16 : i32
        %add3A_803 = arith.addi %add3A_801, %add3A_802 : i32
        %dma_start3A_804 = arith.constant 0 : i32
        %dma_start3A_805 = arith.constant 16 : i32
        %dma_start3A_806 = arith.constant 0 : i32
        %dma_start3A_807 = tpu.memref_slice %arg5[%dma_start3A_804, %dma_start3A_805, %dma_start3A_806] : memref<4x32x512xf32, #tpu.memory_space<vmem>> -> memref<1x16x512xf32, #tpu.memory_space<vmem>>
        %dma_start3A_808 = tpu.memref_squeeze %dma_start3A_807 : memref<1x16x512xf32, #tpu.memory_space<vmem>> -> memref<16x512xf32, #tpu.memory_space<vmem>>
        %dma_start3A_809 = arith.constant 0 : i32
        %dma_start3A_810 = tpu.memref_slice %arg2[%add3A_803, %dma_start3A_809] : memref<16384x512xf32, #tpu.memory_space<hbm>> -> memref<16x512xf32, #tpu.memory_space<hbm>>
        %dma_start3A_811 = arith.constant 16 : i32
        %dma_start3A_812 = arith.constant 0 : i32
        %dma_start3A_813 = tpu.memref_slice %arg5[%dma_start3A_804, %dma_start3A_811, %dma_start3A_812] : memref<4x32x512xf32, #tpu.memory_space<vmem>> -> memref<1x16x512xf32, #tpu.memory_space<vmem>>
        %dma_start3A_814 = tpu.memref_squeeze %dma_start3A_813 : memref<1x16x512xf32, #tpu.memory_space<vmem>> -> memref<16x512xf32, #tpu.memory_space<vmem>>
        %dma_start3A_815 = arith.constant 0 : i32
        %dma_start3A_816 = tpu.memref_slice %arg2[%add3A_803, %dma_start3A_815] : memref<16384x512xf32, #tpu.memory_space<hbm>> -> memref<16x512xf32, #tpu.memory_space<hbm>>
        tpu.enqueue_dma source(%dma_start3A_816 : memref<16x512xf32, #tpu.memory_space<hbm>>) target(%dma_start3A_814 : memref<16x512xf32, #tpu.memory_space<vmem>>) target_semaphore(%arg10 : memref<!tpu.dma_semaphore, #tpu.memory_space<semaphore_mem>>)
      } else {
      }
      %mul3A_577 = arith.constant 32 : i32
      %mul3A_578 = arith.muli %add3A_546, %mul3A_577 : i32
      %add3A_579 = arith.addi %mul3A_2, %mul3A_578 : i32
      %dma_start3A_580 = arith.constant 0 : i32
      %dma_start3A_581 = arith.constant 0 : i32
      %dma_start3A_582 = arith.constant 0 : i32
      %dma_start3A_583 = tpu.memref_slice %arg6[%dma_start3A_580, %dma_start3A_581, %dma_start3A_582] : memref<2x32x256xf32, #tpu.memory_space<vmem>> -> memref<1x32x256xf32, #tpu.memory_space<vmem>>
      %dma_start3A_584 = tpu.memref_squeeze %dma_start3A_583 : memref<1x32x256xf32, #tpu.memory_space<vmem>> -> memref<32x256xf32, #tpu.memory_space<vmem>>
      %dma_start3A_585 = arith.constant 0 : i32
      %dma_start3A_586 = tpu.memref_slice %arg4[%add3A_579, %dma_start3A_585] : memref<16384x256xf32, #tpu.memory_space<hbm>> -> memref<32x256xf32, #tpu.memory_space<hbm>>
      %dma_start3A_587 = arith.constant 0 : i32
      %dma_start3A_588 = tpu.memref_slice %arg4[%add3A_579, %dma_start3A_587] : memref<16384x256xf32, #tpu.memory_space<hbm>> -> memref<32x256xf32, #tpu.memory_space<hbm>>
      %dma_start3A_589 = arith.constant 0 : i32
      %dma_start3A_590 = arith.constant 0 : i32
      %dma_start3A_591 = tpu.memref_slice %arg6[%dma_start3A_580, %dma_start3A_589, %dma_start3A_590] : memref<2x32x256xf32, #tpu.memory_space<vmem>> -> memref<1x32x256xf32, #tpu.memory_space<vmem>>
      %dma_start3A_592 = tpu.memref_squeeze %dma_start3A_591 : memref<1x32x256xf32, #tpu.memory_space<vmem>> -> memref<32x256xf32, #tpu.memory_space<vmem>>
      tpu.enqueue_dma source(%dma_start3A_592 : memref<32x256xf32, #tpu.memory_space<vmem>>) target(%dma_start3A_588 : memref<32x256xf32, #tpu.memory_space<hbm>>) target_semaphore(%arg18 : memref<!tpu.dma_semaphore, #tpu.memory_space<semaphore_mem>>)
      %mul3A_593 = arith.constant 4 : i32
      %mul3A_594 = arith.muli %mul3A_593, %scan3A_542 : i32
      %add3A_595 = arith.constant 1 : i32
      %add3A_596 = arith.addi %mul3A_594, %add3A_595 : i32
      %mul3A_597 = arith.constant 32 : i32
      %mul3A_598 = arith.muli %add3A_596, %mul3A_597 : i32
      %add3A_599 = arith.addi %mul3A_2, %mul3A_598 : i32
      %dma_wait3A_600 = arith.constant 1 : i32
      %dma_wait3A_601 = arith.constant 0 : i32
      %dma_wait3A_602 = arith.constant 0 : i32
      %dma_wait3A_603 = tpu.memref_slice %arg5[%dma_wait3A_600, %dma_wait3A_601, %dma_wait3A_602] : memref<4x32x512xf32, #tpu.memory_space<vmem>> -> memref<1x32x512xf32, #tpu.memory_space<vmem>>
      %dma_wait3A_604 = tpu.memref_squeeze %dma_wait3A_603 : memref<1x32x512xf32, #tpu.memory_space<vmem>> -> memref<32x512xf32, #tpu.memory_space<vmem>>
      %dma_wait3A_605 = arith.constant 0 : i32
      %dma_wait3A_606 = tpu.memref_slice %arg2[%add3A_599, %dma_wait3A_605] : memref<16384x512xf32, #tpu.memory_space<hbm>> -> memref<32x512xf32, #tpu.memory_space<hbm>>
      %dma_wait3A_607 = arith.constant 0 : i32
      %dma_wait3A_608 = arith.constant 0 : i32
      %dma_wait3A_609 = tpu.memref_slice %arg5[%dma_wait3A_600, %dma_wait3A_607, %dma_wait3A_608] : memref<4x32x512xf32, #tpu.memory_space<vmem>> -> memref<1x32x512xf32, #tpu.memory_space<vmem>>
      %dma_wait3A_610 = tpu.memref_squeeze %dma_wait3A_609 : memref<1x32x512xf32, #tpu.memory_space<vmem>> -> memref<32x512xf32, #tpu.memory_space<vmem>>
      %dma_wait3A_611 = arith.constant 0 : i32
      %dma_wait3A_612 = tpu.memref_slice %arg2[%add3A_599, %dma_wait3A_611] : memref<16384x512xf32, #tpu.memory_space<hbm>> -> memref<32x512xf32, #tpu.memory_space<hbm>>
      tpu.wait_dma2 semaphore(%arg11 : memref<!tpu.dma_semaphore, #tpu.memory_space<semaphore_mem>>) src(%dma_wait3A_612 : memref<32x512xf32, #tpu.memory_space<hbm>>) dst(%dma_wait3A_610 : memref<32x512xf32, #tpu.memory_space<vmem>>)
      %ge3A_613 = arith.constant 1 : i32
      %ge3A_614 = arith.cmpi sge, %scan3A_542, %ge3A_613 : i32
      %convert_element_type3A_615 = arith.extui %ge3A_614 : i1 to i32
      %cond3A_616 = arith.constant 0 : i32
      %cond3A_617 = arith.cmpi ne, %convert_element_type3A_615, %cond3A_616 : i32
      scf.if %cond3A_617 {
        %sub3A_781 = arith.constant 2 : i32
        %sub3A_782 = arith.subi %add3A_596, %sub3A_781 : i32
        %mul3A_783 = arith.constant 32 : i32
        %mul3A_784 = arith.muli %sub3A_782, %mul3A_783 : i32
        %add3A_785 = arith.addi %mul3A_2, %mul3A_784 : i32
        %dma_wait3A_786 = arith.constant 1 : i32
        %dma_wait3A_787 = arith.constant 0 : i32
        %dma_wait3A_788 = arith.constant 0 : i32
        %dma_wait3A_789 = tpu.memref_slice %arg6[%dma_wait3A_786, %dma_wait3A_787, %dma_wait3A_788] : memref<2x32x256xf32, #tpu.memory_space<vmem>> -> memref<1x32x256xf32, #tpu.memory_space<vmem>>
        %dma_wait3A_790 = tpu.memref_squeeze %dma_wait3A_789 : memref<1x32x256xf32, #tpu.memory_space<vmem>> -> memref<32x256xf32, #tpu.memory_space<vmem>>
        %dma_wait3A_791 = arith.constant 0 : i32
        %dma_wait3A_792 = tpu.memref_slice %arg4[%add3A_785, %dma_wait3A_791] : memref<16384x256xf32, #tpu.memory_space<hbm>> -> memref<32x256xf32, #tpu.memory_space<hbm>>
        %dma_wait3A_793 = arith.constant 0 : i32
        %dma_wait3A_794 = tpu.memref_slice %arg4[%add3A_785, %dma_wait3A_793] : memref<16384x256xf32, #tpu.memory_space<hbm>> -> memref<32x256xf32, #tpu.memory_space<hbm>>
        %dma_wait3A_795 = arith.constant 0 : i32
        %dma_wait3A_796 = arith.constant 0 : i32
        %dma_wait3A_797 = tpu.memref_slice %arg6[%dma_wait3A_786, %dma_wait3A_795, %dma_wait3A_796] : memref<2x32x256xf32, #tpu.memory_space<vmem>> -> memref<1x32x256xf32, #tpu.memory_space<vmem>>
        %dma_wait3A_798 = tpu.memref_squeeze %dma_wait3A_797 : memref<1x32x256xf32, #tpu.memory_space<vmem>> -> memref<32x256xf32, #tpu.memory_space<vmem>>
        tpu.wait_dma2 semaphore(%arg19 : memref<!tpu.dma_semaphore, #tpu.memory_space<semaphore_mem>>) src(%dma_wait3A_798 : memref<32x256xf32, #tpu.memory_space<vmem>>) dst(%dma_wait3A_794 : memref<32x256xf32, #tpu.memory_space<hbm>>)
      } else {
      }
      %scan3A_618 = arith.constant 0 : i32
      %scan3A_619 = arith.constant 1 : i32
      %scan3A_620 = arith.constant 1 : i32
      %scan3A_621 = arith.constant 0 : i32
      %scan3A_622 = arith.constant 16 : i32
      %scan3A_623 = arith.addi %scan3A_621, %scan3A_622 : i32
      %scan3A_624 = arith.constant 1 : i32
      scf.for %scan3A_781 = %scan3A_621 to %scan3A_623 step %scan3A_624  : i32 {
        %mul3A_782 = arith.constant 16 : i32
        %mul3A_783 = arith.muli %scan3A_781, %mul3A_782 : i32
        %get3A_784 = arith.index_cast %mul3A_783 : i32 to index
        %get3A_785 = tpu.vector_load %arg8[%get3A_784] {strides = array<i32>} : memref<256xf32, #tpu.memory_space<vmem>>, vector<16xf32>,
        %get3A_786 = vector.shape_cast %get3A_785 : vector<16xf32> to vector<16xf32>
        %mul3A_787 = arith.constant 16 : i32
        %mul3A_788 = arith.muli %scan3A_781, %mul3A_787 : i32
        %get3A_789 = arith.index_cast %mul3A_788 : i32 to index
        %get3A_790 = tpu.vector_load %arg9[%get3A_789] {strides = array<i32>} : memref<256xf32, #tpu.memory_space<vmem>>, vector<16xf32>,
        %get3A_791 = vector.shape_cast %get3A_790 : vector<16xf32> to vector<16xf32>
        %parallel_loop3A = arith.constant 0 : i32
        %parallel_loop3A_792 = arith.constant 32 : i32
        %parallel_loop3A_793 = arith.constant 1 : i32
        scf.for %parallel_loop3A_794 = %parallel_loop3A to %parallel_loop3A_792 step %parallel_loop3A_793  : i32 {
          %parallel_loop3A_795 = arith.constant 16 : i32
          %parallel_loop3A_796 = arith.muli %scan3A_781, %parallel_loop3A_795 : i32
          %parallel_loop3A_797 = arith.constant 0 : i32
          %parallel_loop3A_798 = arith.constant 0 : i32
          %parallel_loop3A_799 = tpu.memref_slice %arg5[%scan3A_619, %parallel_loop3A_797, %parallel_loop3A_798] : memref<4x32x512xf32, #tpu.memory_space<vmem>> -> memref<1x32x512xf32, #tpu.memory_space<vmem>>
          %parallel_loop3A_800 = tpu.memref_squeeze %parallel_loop3A_799 : memref<1x32x512xf32, #tpu.memory_space<vmem>> -> memref<32x512xf32, #tpu.memory_space<vmem>>
          %parallel_loop3A_801 = arith.index_cast %parallel_loop3A_794 : i32 to index
          %parallel_loop3A_802 = arith.index_cast %parallel_loop3A_796 : i32 to index
          %parallel_loop3A_803 = tpu.vector_load %parallel_loop3A_800[%parallel_loop3A_801, %parallel_loop3A_802] {strides = array<i32>} : memref<32x512xf32, #tpu.memory_space<vmem>>, vector<1x16xf32>,
          %parallel_loop3A_804 = vector.shape_cast %parallel_loop3A_803 : vector<1x16xf32> to vector<16xf32>
          %parallel_loop3A_805 = arith.constant 16 : i32
          %parallel_loop3A_806 = arith.muli %scan3A_781, %parallel_loop3A_805 : i32
          %parallel_loop3A_807 = arith.constant 256 : i32
          %parallel_loop3A_808 = arith.addi %parallel_loop3A_807, %parallel_loop3A_806 : i32
          %parallel_loop3A_809 = arith.constant 0 : i32
          %parallel_loop3A_810 = arith.constant 0 : i32
          %parallel_loop3A_811 = tpu.memref_slice %arg5[%scan3A_619, %parallel_loop3A_809, %parallel_loop3A_810] : memref<4x32x512xf32, #tpu.memory_space<vmem>> -> memref<1x32x512xf32, #tpu.memory_space<vmem>>
          %parallel_loop3A_812 = tpu.memref_squeeze %parallel_loop3A_811 : memref<1x32x512xf32, #tpu.memory_space<vmem>> -> memref<32x512xf32, #tpu.memory_space<vmem>>
          %parallel_loop3A_813 = arith.index_cast %parallel_loop3A_794 : i32 to index
          %parallel_loop3A_814 = arith.index_cast %parallel_loop3A_808 : i32 to index
          %parallel_loop3A_815 = tpu.vector_load %parallel_loop3A_812[%parallel_loop3A_813, %parallel_loop3A_814] {strides = array<i32>} : memref<32x512xf32, #tpu.memory_space<vmem>>, vector<1x16xf32>,
          %parallel_loop3A_816 = vector.shape_cast %parallel_loop3A_815 : vector<1x16xf32> to vector<16xf32>
          %parallel_loop3A_817 = arith.mulf %parallel_loop3A_804, %get3A_786 : vector<16xf32>
          %parallel_loop3A_818 = arith.mulf %parallel_loop3A_816, %get3A_791 : vector<16xf32>
          %parallel_loop3A_819 = arith.addf %parallel_loop3A_817, %parallel_loop3A_818 : vector<16xf32>
          %parallel_loop3A_820 = arith.constant 16 : i32
          %parallel_loop3A_821 = arith.muli %scan3A_781, %parallel_loop3A_820 : i32
          %parallel_loop3A_822 = arith.constant 0 : i32
          %parallel_loop3A_823 = arith.constant 0 : i32
          %parallel_loop3A_824 = tpu.memref_slice %arg6[%scan3A_620, %parallel_loop3A_822, %parallel_loop3A_823] : memref<2x32x256xf32, #tpu.memory_space<vmem>> -> memref<1x32x256xf32, #tpu.memory_space<vmem>>
          %parallel_loop3A_825 = tpu.memref_squeeze %parallel_loop3A_824 : memref<1x32x256xf32, #tpu.memory_space<vmem>> -> memref<32x256xf32, #tpu.memory_space<vmem>>
          %parallel_loop3A_826 = arith.index_cast %parallel_loop3A_794 : i32 to index
          %parallel_loop3A_827 = arith.index_cast %parallel_loop3A_821 : i32 to index
          %parallel_loop3A_828 = tpu.vector_load %parallel_loop3A_825[%parallel_loop3A_826, %parallel_loop3A_827] {strides = array<i32>} : memref<32x256xf32, #tpu.memory_space<vmem>>, vector<1x16xf32>,
          %parallel_loop3A_829 = vector.shape_cast %parallel_loop3A_828 : vector<1x16xf32> to vector<16xf32>
          %parallel_loop3A_830 = vector.shape_cast %parallel_loop3A_819 : vector<16xf32> to vector<1x16xf32>
          tpu.vector_store %parallel_loop3A_825[%parallel_loop3A_826, %parallel_loop3A_827], %parallel_loop3A_830 {strides = array<i32>} : memref<32x256xf32, #tpu.memory_space<vmem>>, vector<1x16xf32>,
        } {sc.loop_unroll_factor = 4 : i64, sc.parallel_access}
      }
      %scan3A_625 = arith.constant 16 : i32
      %lt3A_626 = arith.constant 3 : i32
      %lt3A_627 = arith.cmpi slt, %scan3A_542, %lt3A_626 : i32
      %convert_element_type3A_628 = arith.extui %lt3A_627 : i1 to i32
      %cond3A_629 = arith.constant 0 : i32
      %cond3A_630 = arith.cmpi ne, %convert_element_type3A_628, %cond3A_629 : i32
      scf.if %cond3A_630 {
        %add3A_781 = arith.constant 4 : i32
        %add3A_782 = arith.addi %add3A_596, %add3A_781 : i32
        %mul3A_783 = arith.constant 32 : i32
        %mul3A_784 = arith.muli %add3A_782, %mul3A_783 : i32
        %add3A_785 = arith.addi %mul3A_2, %mul3A_784 : i32
        %dma_start3A_786 = arith.constant 1 : i32
        %dma_start3A_787 = arith.constant 0 : i32
        %dma_start3A_788 = arith.constant 0 : i32
        %dma_start3A_789 = tpu.memref_slice %arg5[%dma_start3A_786, %dma_start3A_787, %dma_start3A_788] : memref<4x32x512xf32, #tpu.memory_space<vmem>> -> memref<1x16x512xf32, #tpu.memory_space<vmem>>
        %dma_start3A_790 = tpu.memref_squeeze %dma_start3A_789 : memref<1x16x512xf32, #tpu.memory_space<vmem>> -> memref<16x512xf32, #tpu.memory_space<vmem>>
        %dma_start3A_791 = arith.constant 0 : i32
        %dma_start3A_792 = tpu.memref_slice %arg2[%add3A_785, %dma_start3A_791] : memref<16384x512xf32, #tpu.memory_space<hbm>> -> memref<16x512xf32, #tpu.memory_space<hbm>>
        %dma_start3A_793 = arith.constant 0 : i32
        %dma_start3A_794 = arith.constant 0 : i32
        %dma_start3A_795 = tpu.memref_slice %arg5[%dma_start3A_786, %dma_start3A_793, %dma_start3A_794] : memref<4x32x512xf32, #tpu.memory_space<vmem>> -> memref<1x16x512xf32, #tpu.memory_space<vmem>>
        %dma_start3A_796 = tpu.memref_squeeze %dma_start3A_795 : memref<1x16x512xf32, #tpu.memory_space<vmem>> -> memref<16x512xf32, #tpu.memory_space<vmem>>
        %dma_start3A_797 = arith.constant 0 : i32
        %dma_start3A_798 = tpu.memref_slice %arg2[%add3A_785, %dma_start3A_797] : memref<16384x512xf32, #tpu.memory_space<hbm>> -> memref<16x512xf32, #tpu.memory_space<hbm>>
        tpu.enqueue_dma source(%dma_start3A_798 : memref<16x512xf32, #tpu.memory_space<hbm>>) target(%dma_start3A_796 : memref<16x512xf32, #tpu.memory_space<vmem>>) target_semaphore(%arg11 : memref<!tpu.dma_semaphore, #tpu.memory_space<semaphore_mem>>)
        %mul3A_799 = arith.constant 32 : i32
        %mul3A_800 = arith.muli %add3A_782, %mul3A_799 : i32
        %add3A_801 = arith.addi %mul3A_2, %mul3A_800 : i32
        %add3A_802 = arith.constant 16 : i32
        %add3A_803 = arith.addi %add3A_801, %add3A_802 : i32
        %dma_start3A_804 = arith.constant 1 : i32
        %dma_start3A_805 = arith.constant 16 : i32
        %dma_start3A_806 = arith.constant 0 : i32
        %dma_start3A_807 = tpu.memref_slice %arg5[%dma_start3A_804, %dma_start3A_805, %dma_start3A_806] : memref<4x32x512xf32, #tpu.memory_space<vmem>> -> memref<1x16x512xf32, #tpu.memory_space<vmem>>
        %dma_start3A_808 = tpu.memref_squeeze %dma_start3A_807 : memref<1x16x512xf32, #tpu.memory_space<vmem>> -> memref<16x512xf32, #tpu.memory_space<vmem>>
        %dma_start3A_809 = arith.constant 0 : i32
        %dma_start3A_810 = tpu.memref_slice %arg2[%add3A_803, %dma_start3A_809] : memref<16384x512xf32, #tpu.memory_space<hbm>> -> memref<16x512xf32, #tpu.memory_space<hbm>>
        %dma_start3A_811 = arith.constant 16 : i32
        %dma_start3A_812 = arith.constant 0 : i32
        %dma_start3A_813 = tpu.memref_slice %arg5[%dma_start3A_804, %dma_start3A_811, %dma_start3A_812] : memref<4x32x512xf32, #tpu.memory_space<vmem>> -> memref<1x16x512xf32, #tpu.memory_space<vmem>>
        %dma_start3A_814 = tpu.memref_squeeze %dma_start3A_813 : memref<1x16x512xf32, #tpu.memory_space<vmem>> -> memref<16x512xf32, #tpu.memory_space<vmem>>
        %dma_start3A_815 = arith.constant 0 : i32
        %dma_start3A_816 = tpu.memref_slice %arg2[%add3A_803, %dma_start3A_815] : memref<16384x512xf32, #tpu.memory_space<hbm>> -> memref<16x512xf32, #tpu.memory_space<hbm>>
        tpu.enqueue_dma source(%dma_start3A_816 : memref<16x512xf32, #tpu.memory_space<hbm>>) target(%dma_start3A_814 : memref<16x512xf32, #tpu.memory_space<vmem>>) target_semaphore(%arg11 : memref<!tpu.dma_semaphore, #tpu.memory_space<semaphore_mem>>)
      } else {
      }
      %mul3A_631 = arith.constant 32 : i32
      %mul3A_632 = arith.muli %add3A_596, %mul3A_631 : i32
      %add3A_633 = arith.addi %mul3A_2, %mul3A_632 : i32
      %dma_start3A_634 = arith.constant 1 : i32
      %dma_start3A_635 = arith.constant 0 : i32
      %dma_start3A_636 = arith.constant 0 : i32
      %dma_start3A_637 = tpu.memref_slice %arg6[%dma_start3A_634, %dma_start3A_635, %dma_start3A_636] : memref<2x32x256xf32, #tpu.memory_space<vmem>> -> memref<1x32x256xf32, #tpu.memory_space<vmem>>
      %dma_start3A_638 = tpu.memref_squeeze %dma_start3A_637 : memref<1x32x256xf32, #tpu.memory_space<vmem>> -> memref<32x256xf32, #tpu.memory_space<vmem>>
      %dma_start3A_639 = arith.constant 0 : i32
      %dma_start3A_640 = tpu.memref_slice %arg4[%add3A_633, %dma_start3A_639] : memref<16384x256xf32, #tpu.memory_space<hbm>> -> memref<32x256xf32, #tpu.memory_space<hbm>>
      %dma_start3A_641 = arith.constant 0 : i32
      %dma_start3A_642 = tpu.memref_slice %arg4[%add3A_633, %dma_start3A_641] : memref<16384x256xf32, #tpu.memory_space<hbm>> -> memref<32x256xf32, #tpu.memory_space<hbm>>
      %dma_start3A_643 = arith.constant 0 : i32
      %dma_start3A_644 = arith.constant 0 : i32
      %dma_start3A_645 = tpu.memref_slice %arg6[%dma_start3A_634, %dma_start3A_643, %dma_start3A_644] : memref<2x32x256xf32, #tpu.memory_space<vmem>> -> memref<1x32x256xf32, #tpu.memory_space<vmem>>
      %dma_start3A_646 = tpu.memref_squeeze %dma_start3A_645 : memref<1x32x256xf32, #tpu.memory_space<vmem>> -> memref<32x256xf32, #tpu.memory_space<vmem>>
      tpu.enqueue_dma source(%dma_start3A_646 : memref<32x256xf32, #tpu.memory_space<vmem>>) target(%dma_start3A_642 : memref<32x256xf32, #tpu.memory_space<hbm>>) target_semaphore(%arg19 : memref<!tpu.dma_semaphore, #tpu.memory_space<semaphore_mem>>)
      %mul3A_647 = arith.constant 4 : i32
      %mul3A_648 = arith.muli %mul3A_647, %scan3A_542 : i32
      %add3A_649 = arith.constant 2 : i32
      %add3A_650 = arith.addi %mul3A_648, %add3A_649 : i32
      %mul3A_651 = arith.constant 32 : i32
      %mul3A_652 = arith.muli %add3A_650, %mul3A_651 : i32
      %add3A_653 = arith.addi %mul3A_2, %mul3A_652 : i32
      %dma_wait3A_654 = arith.constant 2 : i32
      %dma_wait3A_655 = arith.constant 0 : i32
      %dma_wait3A_656 = arith.constant 0 : i32
      %dma_wait3A_657 = tpu.memref_slice %arg5[%dma_wait3A_654, %dma_wait3A_655, %dma_wait3A_656] : memref<4x32x512xf32, #tpu.memory_space<vmem>> -> memref<1x32x512xf32, #tpu.memory_space<vmem>>
      %dma_wait3A_658 = tpu.memref_squeeze %dma_wait3A_657 : memref<1x32x512xf32, #tpu.memory_space<vmem>> -> memref<32x512xf32, #tpu.memory_space<vmem>>
      %dma_wait3A_659 = arith.constant 0 : i32
      %dma_wait3A_660 = tpu.memref_slice %arg2[%add3A_653, %dma_wait3A_659] : memref<16384x512xf32, #tpu.memory_space<hbm>> -> memref<32x512xf32, #tpu.memory_space<hbm>>
      %dma_wait3A_661 = arith.constant 0 : i32
      %dma_wait3A_662 = arith.constant 0 : i32
      %dma_wait3A_663 = tpu.memref_slice %arg5[%dma_wait3A_654, %dma_wait3A_661, %dma_wait3A_662] : memref<4x32x512xf32, #tpu.memory_space<vmem>> -> memref<1x32x512xf32, #tpu.memory_space<vmem>>
      %dma_wait3A_664 = tpu.memref_squeeze %dma_wait3A_663 : memref<1x32x512xf32, #tpu.memory_space<vmem>> -> memref<32x512xf32, #tpu.memory_space<vmem>>
      %dma_wait3A_665 = arith.constant 0 : i32
      %dma_wait3A_666 = tpu.memref_slice %arg2[%add3A_653, %dma_wait3A_665] : memref<16384x512xf32, #tpu.memory_space<hbm>> -> memref<32x512xf32, #tpu.memory_space<hbm>>
      tpu.wait_dma2 semaphore(%arg12 : memref<!tpu.dma_semaphore, #tpu.memory_space<semaphore_mem>>) src(%dma_wait3A_666 : memref<32x512xf32, #tpu.memory_space<hbm>>) dst(%dma_wait3A_664 : memref<32x512xf32, #tpu.memory_space<vmem>>)
      %sub3A_667 = arith.constant 2 : i32
      %sub3A_668 = arith.subi %add3A_650, %sub3A_667 : i32
      %mul3A_669 = arith.constant 32 : i32
      %mul3A_670 = arith.muli %sub3A_668, %mul3A_669 : i32
      %add3A_671 = arith.addi %mul3A_2, %mul3A_670 : i32
      %dma_wait3A_672 = arith.constant 0 : i32
      %dma_wait3A_673 = arith.constant 0 : i32
      %dma_wait3A_674 = arith.constant 0 : i32
      %dma_wait3A_675 = tpu.memref_slice %arg6[%dma_wait3A_672, %dma_wait3A_673, %dma_wait3A_674] : memref<2x32x256xf32, #tpu.memory_space<vmem>> -> memref<1x32x256xf32, #tpu.memory_space<vmem>>
      %dma_wait3A_676 = tpu.memref_squeeze %dma_wait3A_675 : memref<1x32x256xf32, #tpu.memory_space<vmem>> -> memref<32x256xf32, #tpu.memory_space<vmem>>
      %dma_wait3A_677 = arith.constant 0 : i32
      %dma_wait3A_678 = tpu.memref_slice %arg4[%add3A_671, %dma_wait3A_677] : memref<16384x256xf32, #tpu.memory_space<hbm>> -> memref<32x256xf32, #tpu.memory_space<hbm>>
      %dma_wait3A_679 = arith.constant 0 : i32
      %dma_wait3A_680 = tpu.memref_slice %arg4[%add3A_671, %dma_wait3A_679] : memref<16384x256xf32, #tpu.memory_space<hbm>> -> memref<32x256xf32, #tpu.memory_space<hbm>>
      %dma_wait3A_681 = arith.constant 0 : i32
      %dma_wait3A_682 = arith.constant 0 : i32
      %dma_wait3A_683 = tpu.memref_slice %arg6[%dma_wait3A_672, %dma_wait3A_681, %dma_wait3A_682] : memref<2x32x256xf32, #tpu.memory_space<vmem>> -> memref<1x32x256xf32, #tpu.memory_space<vmem>>
      %dma_wait3A_684 = tpu.memref_squeeze %dma_wait3A_683 : memref<1x32x256xf32, #tpu.memory_space<vmem>> -> memref<32x256xf32, #tpu.memory_space<vmem>>
      tpu.wait_dma2 semaphore(%arg18 : memref<!tpu.dma_semaphore, #tpu.memory_space<semaphore_mem>>) src(%dma_wait3A_684 : memref<32x256xf32, #tpu.memory_space<vmem>>) dst(%dma_wait3A_680 : memref<32x256xf32, #tpu.memory_space<hbm>>)
      %scan3A_685 = arith.constant 0 : i32
      %scan3A_686 = arith.constant 2 : i32
      %scan3A_687 = arith.constant 0 : i32
      %scan3A_688 = arith.constant 0 : i32
      %scan3A_689 = arith.constant 16 : i32
      %scan3A_690 = arith.addi %scan3A_688, %scan3A_689 : i32
      %scan3A_691 = arith.constant 1 : i32
      scf.for %scan3A_781 = %scan3A_688 to %scan3A_690 step %scan3A_691  : i32 {
        %mul3A_782 = arith.constant 16 : i32
        %mul3A_783 = arith.muli %scan3A_781, %mul3A_782 : i32
        %get3A_784 = arith.index_cast %mul3A_783 : i32 to index
        %get3A_785 = tpu.vector_load %arg8[%get3A_784] {strides = array<i32>} : memref<256xf32, #tpu.memory_space<vmem>>, vector<16xf32>,
        %get3A_786 = vector.shape_cast %get3A_785 : vector<16xf32> to vector<16xf32>
        %mul3A_787 = arith.constant 16 : i32
        %mul3A_788 = arith.muli %scan3A_781, %mul3A_787 : i32
        %get3A_789 = arith.index_cast %mul3A_788 : i32 to index
        %get3A_790 = tpu.vector_load %arg9[%get3A_789] {strides = array<i32>} : memref<256xf32, #tpu.memory_space<vmem>>, vector<16xf32>,
        %get3A_791 = vector.shape_cast %get3A_790 : vector<16xf32> to vector<16xf32>
        %parallel_loop3A = arith.constant 0 : i32
        %parallel_loop3A_792 = arith.constant 32 : i32
        %parallel_loop3A_793 = arith.constant 1 : i32
        scf.for %parallel_loop3A_794 = %parallel_loop3A to %parallel_loop3A_792 step %parallel_loop3A_793  : i32 {
          %parallel_loop3A_795 = arith.constant 16 : i32
          %parallel_loop3A_796 = arith.muli %scan3A_781, %parallel_loop3A_795 : i32
          %parallel_loop3A_797 = arith.constant 0 : i32
          %parallel_loop3A_798 = arith.constant 0 : i32
          %parallel_loop3A_799 = tpu.memref_slice %arg5[%scan3A_686, %parallel_loop3A_797, %parallel_loop3A_798] : memref<4x32x512xf32, #tpu.memory_space<vmem>> -> memref<1x32x512xf32, #tpu.memory_space<vmem>>
          %parallel_loop3A_800 = tpu.memref_squeeze %parallel_loop3A_799 : memref<1x32x512xf32, #tpu.memory_space<vmem>> -> memref<32x512xf32, #tpu.memory_space<vmem>>
          %parallel_loop3A_801 = arith.index_cast %parallel_loop3A_794 : i32 to index
          %parallel_loop3A_802 = arith.index_cast %parallel_loop3A_796 : i32 to index
          %parallel_loop3A_803 = tpu.vector_load %parallel_loop3A_800[%parallel_loop3A_801, %parallel_loop3A_802] {strides = array<i32>} : memref<32x512xf32, #tpu.memory_space<vmem>>, vector<1x16xf32>,
          %parallel_loop3A_804 = vector.shape_cast %parallel_loop3A_803 : vector<1x16xf32> to vector<16xf32>
          %parallel_loop3A_805 = arith.constant 16 : i32
          %parallel_loop3A_806 = arith.muli %scan3A_781, %parallel_loop3A_805 : i32
          %parallel_loop3A_807 = arith.constant 256 : i32
          %parallel_loop3A_808 = arith.addi %parallel_loop3A_807, %parallel_loop3A_806 : i32
          %parallel_loop3A_809 = arith.constant 0 : i32
          %parallel_loop3A_810 = arith.constant 0 : i32
          %parallel_loop3A_811 = tpu.memref_slice %arg5[%scan3A_686, %parallel_loop3A_809, %parallel_loop3A_810] : memref<4x32x512xf32, #tpu.memory_space<vmem>> -> memref<1x32x512xf32, #tpu.memory_space<vmem>>
          %parallel_loop3A_812 = tpu.memref_squeeze %parallel_loop3A_811 : memref<1x32x512xf32, #tpu.memory_space<vmem>> -> memref<32x512xf32, #tpu.memory_space<vmem>>
          %parallel_loop3A_813 = arith.index_cast %parallel_loop3A_794 : i32 to index
          %parallel_loop3A_814 = arith.index_cast %parallel_loop3A_808 : i32 to index
          %parallel_loop3A_815 = tpu.vector_load %parallel_loop3A_812[%parallel_loop3A_813, %parallel_loop3A_814] {strides = array<i32>} : memref<32x512xf32, #tpu.memory_space<vmem>>, vector<1x16xf32>,
          %parallel_loop3A_816 = vector.shape_cast %parallel_loop3A_815 : vector<1x16xf32> to vector<16xf32>
          %parallel_loop3A_817 = arith.mulf %parallel_loop3A_804, %get3A_786 : vector<16xf32>
          %parallel_loop3A_818 = arith.mulf %parallel_loop3A_816, %get3A_791 : vector<16xf32>
          %parallel_loop3A_819 = arith.addf %parallel_loop3A_817, %parallel_loop3A_818 : vector<16xf32>
          %parallel_loop3A_820 = arith.constant 16 : i32
          %parallel_loop3A_821 = arith.muli %scan3A_781, %parallel_loop3A_820 : i32
          %parallel_loop3A_822 = arith.constant 0 : i32
          %parallel_loop3A_823 = arith.constant 0 : i32
          %parallel_loop3A_824 = tpu.memref_slice %arg6[%scan3A_687, %parallel_loop3A_822, %parallel_loop3A_823] : memref<2x32x256xf32, #tpu.memory_space<vmem>> -> memref<1x32x256xf32, #tpu.memory_space<vmem>>
          %parallel_loop3A_825 = tpu.memref_squeeze %parallel_loop3A_824 : memref<1x32x256xf32, #tpu.memory_space<vmem>> -> memref<32x256xf32, #tpu.memory_space<vmem>>
          %parallel_loop3A_826 = arith.index_cast %parallel_loop3A_794 : i32 to index
          %parallel_loop3A_827 = arith.index_cast %parallel_loop3A_821 : i32 to index
          %parallel_loop3A_828 = tpu.vector_load %parallel_loop3A_825[%parallel_loop3A_826, %parallel_loop3A_827] {strides = array<i32>} : memref<32x256xf32, #tpu.memory_space<vmem>>, vector<1x16xf32>,
          %parallel_loop3A_829 = vector.shape_cast %parallel_loop3A_828 : vector<1x16xf32> to vector<16xf32>
          %parallel_loop3A_830 = vector.shape_cast %parallel_loop3A_819 : vector<16xf32> to vector<1x16xf32>
          tpu.vector_store %parallel_loop3A_825[%parallel_loop3A_826, %parallel_loop3A_827], %parallel_loop3A_830 {strides = array<i32>} : memref<32x256xf32, #tpu.memory_space<vmem>>, vector<1x16xf32>,
        } {sc.loop_unroll_factor = 4 : i64, sc.parallel_access}
      }
      %scan3A_692 = arith.constant 16 : i32
      %lt3A_693 = arith.constant 3 : i32
      %lt3A_694 = arith.cmpi slt, %scan3A_542, %lt3A_693 : i32
      %convert_element_type3A_695 = arith.extui %lt3A_694 : i1 to i32
      %cond3A_696 = arith.constant 0 : i32
      %cond3A_697 = arith.cmpi ne, %convert_element_type3A_695, %cond3A_696 : i32
      scf.if %cond3A_697 {
        %add3A_781 = arith.constant 4 : i32
        %add3A_782 = arith.addi %add3A_650, %add3A_781 : i32
        %mul3A_783 = arith.constant 32 : i32
        %mul3A_784 = arith.muli %add3A_782, %mul3A_783 : i32
        %add3A_785 = arith.addi %mul3A_2, %mul3A_784 : i32
        %dma_start3A_786 = arith.constant 2 : i32
        %dma_start3A_787 = arith.constant 0 : i32
        %dma_start3A_788 = arith.constant 0 : i32
        %dma_start3A_789 = tpu.memref_slice %arg5[%dma_start3A_786, %dma_start3A_787, %dma_start3A_788] : memref<4x32x512xf32, #tpu.memory_space<vmem>> -> memref<1x16x512xf32, #tpu.memory_space<vmem>>
        %dma_start3A_790 = tpu.memref_squeeze %dma_start3A_789 : memref<1x16x512xf32, #tpu.memory_space<vmem>> -> memref<16x512xf32, #tpu.memory_space<vmem>>
        %dma_start3A_791 = arith.constant 0 : i32
        %dma_start3A_792 = tpu.memref_slice %arg2[%add3A_785, %dma_start3A_791] : memref<16384x512xf32, #tpu.memory_space<hbm>> -> memref<16x512xf32, #tpu.memory_space<hbm>>
        %dma_start3A_793 = arith.constant 0 : i32
        %dma_start3A_794 = arith.constant 0 : i32
        %dma_start3A_795 = tpu.memref_slice %arg5[%dma_start3A_786, %dma_start3A_793, %dma_start3A_794] : memref<4x32x512xf32, #tpu.memory_space<vmem>> -> memref<1x16x512xf32, #tpu.memory_space<vmem>>
        %dma_start3A_796 = tpu.memref_squeeze %dma_start3A_795 : memref<1x16x512xf32, #tpu.memory_space<vmem>> -> memref<16x512xf32, #tpu.memory_space<vmem>>
        %dma_start3A_797 = arith.constant 0 : i32
        %dma_start3A_798 = tpu.memref_slice %arg2[%add3A_785, %dma_start3A_797] : memref<16384x512xf32, #tpu.memory_space<hbm>> -> memref<16x512xf32, #tpu.memory_space<hbm>>
        tpu.enqueue_dma source(%dma_start3A_798 : memref<16x512xf32, #tpu.memory_space<hbm>>) target(%dma_start3A_796 : memref<16x512xf32, #tpu.memory_space<vmem>>) target_semaphore(%arg12 : memref<!tpu.dma_semaphore, #tpu.memory_space<semaphore_mem>>)
        %mul3A_799 = arith.constant 32 : i32
        %mul3A_800 = arith.muli %add3A_782, %mul3A_799 : i32
        %add3A_801 = arith.addi %mul3A_2, %mul3A_800 : i32
        %add3A_802 = arith.constant 16 : i32
        %add3A_803 = arith.addi %add3A_801, %add3A_802 : i32
        %dma_start3A_804 = arith.constant 2 : i32
        %dma_start3A_805 = arith.constant 16 : i32
        %dma_start3A_806 = arith.constant 0 : i32
        %dma_start3A_807 = tpu.memref_slice %arg5[%dma_start3A_804, %dma_start3A_805, %dma_start3A_806] : memref<4x32x512xf32, #tpu.memory_space<vmem>> -> memref<1x16x512xf32, #tpu.memory_space<vmem>>
        %dma_start3A_808 = tpu.memref_squeeze %dma_start3A_807 : memref<1x16x512xf32, #tpu.memory_space<vmem>> -> memref<16x512xf32, #tpu.memory_space<vmem>>
        %dma_start3A_809 = arith.constant 0 : i32
        %dma_start3A_810 = tpu.memref_slice %arg2[%add3A_803, %dma_start3A_809] : memref<16384x512xf32, #tpu.memory_space<hbm>> -> memref<16x512xf32, #tpu.memory_space<hbm>>
        %dma_start3A_811 = arith.constant 16 : i32
        %dma_start3A_812 = arith.constant 0 : i32
        %dma_start3A_813 = tpu.memref_slice %arg5[%dma_start3A_804, %dma_start3A_811, %dma_start3A_812] : memref<4x32x512xf32, #tpu.memory_space<vmem>> -> memref<1x16x512xf32, #tpu.memory_space<vmem>>
        %dma_start3A_814 = tpu.memref_squeeze %dma_start3A_813 : memref<1x16x512xf32, #tpu.memory_space<vmem>> -> memref<16x512xf32, #tpu.memory_space<vmem>>
        %dma_start3A_815 = arith.constant 0 : i32
        %dma_start3A_816 = tpu.memref_slice %arg2[%add3A_803, %dma_start3A_815] : memref<16384x512xf32, #tpu.memory_space<hbm>> -> memref<16x512xf32, #tpu.memory_space<hbm>>
        tpu.enqueue_dma source(%dma_start3A_816 : memref<16x512xf32, #tpu.memory_space<hbm>>) target(%dma_start3A_814 : memref<16x512xf32, #tpu.memory_space<vmem>>) target_semaphore(%arg12 : memref<!tpu.dma_semaphore, #tpu.memory_space<semaphore_mem>>)
      } else {
      }
      %mul3A_698 = arith.constant 32 : i32
      %mul3A_699 = arith.muli %add3A_650, %mul3A_698 : i32
      %add3A_700 = arith.addi %mul3A_2, %mul3A_699 : i32
      %dma_start3A_701 = arith.constant 0 : i32
      %dma_start3A_702 = arith.constant 0 : i32
      %dma_start3A_703 = arith.constant 0 : i32
      %dma_start3A_704 = tpu.memref_slice %arg6[%dma_start3A_701, %dma_start3A_702, %dma_start3A_703] : memref<2x32x256xf32, #tpu.memory_space<vmem>> -> memref<1x32x256xf32, #tpu.memory_space<vmem>>
      %dma_start3A_705 = tpu.memref_squeeze %dma_start3A_704 : memref<1x32x256xf32, #tpu.memory_space<vmem>> -> memref<32x256xf32, #tpu.memory_space<vmem>>
      %dma_start3A_706 = arith.constant 0 : i32
      %dma_start3A_707 = tpu.memref_slice %arg4[%add3A_700, %dma_start3A_706] : memref<16384x256xf32, #tpu.memory_space<hbm>> -> memref<32x256xf32, #tpu.memory_space<hbm>>
      %dma_start3A_708 = arith.constant 0 : i32
      %dma_start3A_709 = tpu.memref_slice %arg4[%add3A_700, %dma_start3A_708] : memref<16384x256xf32, #tpu.memory_space<hbm>> -> memref<32x256xf32, #tpu.memory_space<hbm>>
      %dma_start3A_710 = arith.constant 0 : i32
      %dma_start3A_711 = arith.constant 0 : i32
      %dma_start3A_712 = tpu.memref_slice %arg6[%dma_start3A_701, %dma_start3A_710, %dma_start3A_711] : memref<2x32x256xf32, #tpu.memory_space<vmem>> -> memref<1x32x256xf32, #tpu.memory_space<vmem>>
      %dma_start3A_713 = tpu.memref_squeeze %dma_start3A_712 : memref<1x32x256xf32, #tpu.memory_space<vmem>> -> memref<32x256xf32, #tpu.memory_space<vmem>>
      tpu.enqueue_dma source(%dma_start3A_713 : memref<32x256xf32, #tpu.memory_space<vmem>>) target(%dma_start3A_709 : memref<32x256xf32, #tpu.memory_space<hbm>>) target_semaphore(%arg18 : memref<!tpu.dma_semaphore, #tpu.memory_space<semaphore_mem>>)
      %mul3A_714 = arith.constant 4 : i32
      %mul3A_715 = arith.muli %mul3A_714, %scan3A_542 : i32
      %add3A_716 = arith.constant 3 : i32
      %add3A_717 = arith.addi %mul3A_715, %add3A_716 : i32
      %mul3A_718 = arith.constant 32 : i32
      %mul3A_719 = arith.muli %add3A_717, %mul3A_718 : i32
      %add3A_720 = arith.addi %mul3A_2, %mul3A_719 : i32
      %dma_wait3A_721 = arith.constant 3 : i32
      %dma_wait3A_722 = arith.constant 0 : i32
      %dma_wait3A_723 = arith.constant 0 : i32
      %dma_wait3A_724 = tpu.memref_slice %arg5[%dma_wait3A_721, %dma_wait3A_722, %dma_wait3A_723] : memref<4x32x512xf32, #tpu.memory_space<vmem>> -> memref<1x32x512xf32, #tpu.memory_space<vmem>>
      %dma_wait3A_725 = tpu.memref_squeeze %dma_wait3A_724 : memref<1x32x512xf32, #tpu.memory_space<vmem>> -> memref<32x512xf32, #tpu.memory_space<vmem>>
      %dma_wait3A_726 = arith.constant 0 : i32
      %dma_wait3A_727 = tpu.memref_slice %arg2[%add3A_720, %dma_wait3A_726] : memref<16384x512xf32, #tpu.memory_space<hbm>> -> memref<32x512xf32, #tpu.memory_space<hbm>>
      %dma_wait3A_728 = arith.constant 0 : i32
      %dma_wait3A_729 = arith.constant 0 : i32
      %dma_wait3A_730 = tpu.memref_slice %arg5[%dma_wait3A_721, %dma_wait3A_728, %dma_wait3A_729] : memref<4x32x512xf32, #tpu.memory_space<vmem>> -> memref<1x32x512xf32, #tpu.memory_space<vmem>>
      %dma_wait3A_731 = tpu.memref_squeeze %dma_wait3A_730 : memref<1x32x512xf32, #tpu.memory_space<vmem>> -> memref<32x512xf32, #tpu.memory_space<vmem>>
      %dma_wait3A_732 = arith.constant 0 : i32
      %dma_wait3A_733 = tpu.memref_slice %arg2[%add3A_720, %dma_wait3A_732] : memref<16384x512xf32, #tpu.memory_space<hbm>> -> memref<32x512xf32, #tpu.memory_space<hbm>>
      tpu.wait_dma2 semaphore(%arg13 : memref<!tpu.dma_semaphore, #tpu.memory_space<semaphore_mem>>) src(%dma_wait3A_733 : memref<32x512xf32, #tpu.memory_space<hbm>>) dst(%dma_wait3A_731 : memref<32x512xf32, #tpu.memory_space<vmem>>)
      %sub3A_734 = arith.constant 2 : i32
      %sub3A_735 = arith.subi %add3A_717, %sub3A_734 : i32
      %mul3A_736 = arith.constant 32 : i32
      %mul3A_737 = arith.muli %sub3A_735, %mul3A_736 : i32
      %add3A_738 = arith.addi %mul3A_2, %mul3A_737 : i32
      %dma_wait3A_739 = arith.constant 1 : i32
      %dma_wait3A_740 = arith.constant 0 : i32
      %dma_wait3A_741 = arith.constant 0 : i32
      %dma_wait3A_742 = tpu.memref_slice %arg6[%dma_wait3A_739, %dma_wait3A_740, %dma_wait3A_741] : memref<2x32x256xf32, #tpu.memory_space<vmem>> -> memref<1x32x256xf32, #tpu.memory_space<vmem>>
      %dma_wait3A_743 = tpu.memref_squeeze %dma_wait3A_742 : memref<1x32x256xf32, #tpu.memory_space<vmem>> -> memref<32x256xf32, #tpu.memory_space<vmem>>
      %dma_wait3A_744 = arith.constant 0 : i32
      %dma_wait3A_745 = tpu.memref_slice %arg4[%add3A_738, %dma_wait3A_744] : memref<16384x256xf32, #tpu.memory_space<hbm>> -> memref<32x256xf32, #tpu.memory_space<hbm>>
      %dma_wait3A_746 = arith.constant 0 : i32
      %dma_wait3A_747 = tpu.memref_slice %arg4[%add3A_738, %dma_wait3A_746] : memref<16384x256xf32, #tpu.memory_space<hbm>> -> memref<32x256xf32, #tpu.memory_space<hbm>>
      %dma_wait3A_748 = arith.constant 0 : i32
      %dma_wait3A_749 = arith.constant 0 : i32
      %dma_wait3A_750 = tpu.memref_slice %arg6[%dma_wait3A_739, %dma_wait3A_748, %dma_wait3A_749] : memref<2x32x256xf32, #tpu.memory_space<vmem>> -> memref<1x32x256xf32, #tpu.memory_space<vmem>>
      %dma_wait3A_751 = tpu.memref_squeeze %dma_wait3A_750 : memref<1x32x256xf32, #tpu.memory_space<vmem>> -> memref<32x256xf32, #tpu.memory_space<vmem>>
      tpu.wait_dma2 semaphore(%arg19 : memref<!tpu.dma_semaphore, #tpu.memory_space<semaphore_mem>>) src(%dma_wait3A_751 : memref<32x256xf32, #tpu.memory_space<vmem>>) dst(%dma_wait3A_747 : memref<32x256xf32, #tpu.memory_space<hbm>>)
      %scan3A_752 = arith.constant 0 : i32
      %scan3A_753 = arith.constant 3 : i32
      %scan3A_754 = arith.constant 1 : i32
      %scan3A_755 = arith.constant 0 : i32
      %scan3A_756 = arith.constant 16 : i32
      %scan3A_757 = arith.addi %scan3A_755, %scan3A_756 : i32
      %scan3A_758 = arith.constant 1 : i32
      scf.for %scan3A_781 = %scan3A_755 to %scan3A_757 step %scan3A_758  : i32 {
        %mul3A_782 = arith.constant 16 : i32
        %mul3A_783 = arith.muli %scan3A_781, %mul3A_782 : i32
        %get3A_784 = arith.index_cast %mul3A_783 : i32 to index
        %get3A_785 = tpu.vector_load %arg8[%get3A_784] {strides = array<i32>} : memref<256xf32, #tpu.memory_space<vmem>>, vector<16xf32>,
        %get3A_786 = vector.shape_cast %get3A_785 : vector<16xf32> to vector<16xf32>
        %mul3A_787 = arith.constant 16 : i32
        %mul3A_788 = arith.muli %scan3A_781, %mul3A_787 : i32
        %get3A_789 = arith.index_cast %mul3A_788 : i32 to index
        %get3A_790 = tpu.vector_load %arg9[%get3A_789] {strides = array<i32>} : memref<256xf32, #tpu.memory_space<vmem>>, vector<16xf32>,
        %get3A_791 = vector.shape_cast %get3A_790 : vector<16xf32> to vector<16xf32>
        %parallel_loop3A = arith.constant 0 : i32
        %parallel_loop3A_792 = arith.constant 32 : i32
        %parallel_loop3A_793 = arith.constant 1 : i32
        scf.for %parallel_loop3A_794 = %parallel_loop3A to %parallel_loop3A_792 step %parallel_loop3A_793  : i32 {
          %parallel_loop3A_795 = arith.constant 16 : i32
          %parallel_loop3A_796 = arith.muli %scan3A_781, %parallel_loop3A_795 : i32
          %parallel_loop3A_797 = arith.constant 0 : i32
          %parallel_loop3A_798 = arith.constant 0 : i32
          %parallel_loop3A_799 = tpu.memref_slice %arg5[%scan3A_753, %parallel_loop3A_797, %parallel_loop3A_798] : memref<4x32x512xf32, #tpu.memory_space<vmem>> -> memref<1x32x512xf32, #tpu.memory_space<vmem>>
          %parallel_loop3A_800 = tpu.memref_squeeze %parallel_loop3A_799 : memref<1x32x512xf32, #tpu.memory_space<vmem>> -> memref<32x512xf32, #tpu.memory_space<vmem>>
          %parallel_loop3A_801 = arith.index_cast %parallel_loop3A_794 : i32 to index
          %parallel_loop3A_802 = arith.index_cast %parallel_loop3A_796 : i32 to index
          %parallel_loop3A_803 = tpu.vector_load %parallel_loop3A_800[%parallel_loop3A_801, %parallel_loop3A_802] {strides = array<i32>} : memref<32x512xf32, #tpu.memory_space<vmem>>, vector<1x16xf32>,
          %parallel_loop3A_804 = vector.shape_cast %parallel_loop3A_803 : vector<1x16xf32> to vector<16xf32>
          %parallel_loop3A_805 = arith.constant 16 : i32
          %parallel_loop3A_806 = arith.muli %scan3A_781, %parallel_loop3A_805 : i32
          %parallel_loop3A_807 = arith.constant 256 : i32
          %parallel_loop3A_808 = arith.addi %parallel_loop3A_807, %parallel_loop3A_806 : i32
          %parallel_loop3A_809 = arith.constant 0 : i32
          %parallel_loop3A_810 = arith.constant 0 : i32
          %parallel_loop3A_811 = tpu.memref_slice %arg5[%scan3A_753, %parallel_loop3A_809, %parallel_loop3A_810] : memref<4x32x512xf32, #tpu.memory_space<vmem>> -> memref<1x32x512xf32, #tpu.memory_space<vmem>>
          %parallel_loop3A_812 = tpu.memref_squeeze %parallel_loop3A_811 : memref<1x32x512xf32, #tpu.memory_space<vmem>> -> memref<32x512xf32, #tpu.memory_space<vmem>>
          %parallel_loop3A_813 = arith.index_cast %parallel_loop3A_794 : i32 to index
          %parallel_loop3A_814 = arith.index_cast %parallel_loop3A_808 : i32 to index
          %parallel_loop3A_815 = tpu.vector_load %parallel_loop3A_812[%parallel_loop3A_813, %parallel_loop3A_814] {strides = array<i32>} : memref<32x512xf32, #tpu.memory_space<vmem>>, vector<1x16xf32>,
          %parallel_loop3A_816 = vector.shape_cast %parallel_loop3A_815 : vector<1x16xf32> to vector<16xf32>
          %parallel_loop3A_817 = arith.mulf %parallel_loop3A_804, %get3A_786 : vector<16xf32>
          %parallel_loop3A_818 = arith.mulf %parallel_loop3A_816, %get3A_791 : vector<16xf32>
          %parallel_loop3A_819 = arith.addf %parallel_loop3A_817, %parallel_loop3A_818 : vector<16xf32>
          %parallel_loop3A_820 = arith.constant 16 : i32
          %parallel_loop3A_821 = arith.muli %scan3A_781, %parallel_loop3A_820 : i32
          %parallel_loop3A_822 = arith.constant 0 : i32
          %parallel_loop3A_823 = arith.constant 0 : i32
          %parallel_loop3A_824 = tpu.memref_slice %arg6[%scan3A_754, %parallel_loop3A_822, %parallel_loop3A_823] : memref<2x32x256xf32, #tpu.memory_space<vmem>> -> memref<1x32x256xf32, #tpu.memory_space<vmem>>
          %parallel_loop3A_825 = tpu.memref_squeeze %parallel_loop3A_824 : memref<1x32x256xf32, #tpu.memory_space<vmem>> -> memref<32x256xf32, #tpu.memory_space<vmem>>
          %parallel_loop3A_826 = arith.index_cast %parallel_loop3A_794 : i32 to index
          %parallel_loop3A_827 = arith.index_cast %parallel_loop3A_821 : i32 to index
          %parallel_loop3A_828 = tpu.vector_load %parallel_loop3A_825[%parallel_loop3A_826, %parallel_loop3A_827] {strides = array<i32>} : memref<32x256xf32, #tpu.memory_space<vmem>>, vector<1x16xf32>,
          %parallel_loop3A_829 = vector.shape_cast %parallel_loop3A_828 : vector<1x16xf32> to vector<16xf32>
          %parallel_loop3A_830 = vector.shape_cast %parallel_loop3A_819 : vector<16xf32> to vector<1x16xf32>
          tpu.vector_store %parallel_loop3A_825[%parallel_loop3A_826, %parallel_loop3A_827], %parallel_loop3A_830 {strides = array<i32>} : memref<32x256xf32, #tpu.memory_space<vmem>>, vector<1x16xf32>,
        } {sc.loop_unroll_factor = 4 : i64, sc.parallel_access}
      }
      %scan3A_759 = arith.constant 16 : i32
      %lt3A_760 = arith.constant 3 : i32
      %lt3A_761 = arith.cmpi slt, %scan3A_542, %lt3A_760 : i32
      %convert_element_type3A_762 = arith.extui %lt3A_761 : i1 to i32
      %cond3A_763 = arith.constant 0 : i32
      %cond3A_764 = arith.cmpi ne, %convert_element_type3A_762, %cond3A_763 : i32
      scf.if %cond3A_764 {
        %add3A_781 = arith.constant 4 : i32
        %add3A_782 = arith.addi %add3A_717, %add3A_781 : i32
        %mul3A_783 = arith.constant 32 : i32
        %mul3A_784 = arith.muli %add3A_782, %mul3A_783 : i32
        %add3A_785 = arith.addi %mul3A_2, %mul3A_784 : i32
        %dma_start3A_786 = arith.constant 3 : i32
        %dma_start3A_787 = arith.constant 0 : i32
        %dma_start3A_788 = arith.constant 0 : i32
        %dma_start3A_789 = tpu.memref_slice %arg5[%dma_start3A_786, %dma_start3A_787, %dma_start3A_788] : memref<4x32x512xf32, #tpu.memory_space<vmem>> -> memref<1x16x512xf32, #tpu.memory_space<vmem>>
        %dma_start3A_790 = tpu.memref_squeeze %dma_start3A_789 : memref<1x16x512xf32, #tpu.memory_space<vmem>> -> memref<16x512xf32, #tpu.memory_space<vmem>>
        %dma_start3A_791 = arith.constant 0 : i32
        %dma_start3A_792 = tpu.memref_slice %arg2[%add3A_785, %dma_start3A_791] : memref<16384x512xf32, #tpu.memory_space<hbm>> -> memref<16x512xf32, #tpu.memory_space<hbm>>
        %dma_start3A_793 = arith.constant 0 : i32
        %dma_start3A_794 = arith.constant 0 : i32
        %dma_start3A_795 = tpu.memref_slice %arg5[%dma_start3A_786, %dma_start3A_793, %dma_start3A_794] : memref<4x32x512xf32, #tpu.memory_space<vmem>> -> memref<1x16x512xf32, #tpu.memory_space<vmem>>
        %dma_start3A_796 = tpu.memref_squeeze %dma_start3A_795 : memref<1x16x512xf32, #tpu.memory_space<vmem>> -> memref<16x512xf32, #tpu.memory_space<vmem>>
        %dma_start3A_797 = arith.constant 0 : i32
        %dma_start3A_798 = tpu.memref_slice %arg2[%add3A_785, %dma_start3A_797] : memref<16384x512xf32, #tpu.memory_space<hbm>> -> memref<16x512xf32, #tpu.memory_space<hbm>>
        tpu.enqueue_dma source(%dma_start3A_798 : memref<16x512xf32, #tpu.memory_space<hbm>>) target(%dma_start3A_796 : memref<16x512xf32, #tpu.memory_space<vmem>>) target_semaphore(%arg13 : memref<!tpu.dma_semaphore, #tpu.memory_space<semaphore_mem>>)
        %mul3A_799 = arith.constant 32 : i32
        %mul3A_800 = arith.muli %add3A_782, %mul3A_799 : i32
        %add3A_801 = arith.addi %mul3A_2, %mul3A_800 : i32
        %add3A_802 = arith.constant 16 : i32
        %add3A_803 = arith.addi %add3A_801, %add3A_802 : i32
        %dma_start3A_804 = arith.constant 3 : i32
        %dma_start3A_805 = arith.constant 16 : i32
        %dma_start3A_806 = arith.constant 0 : i32
        %dma_start3A_807 = tpu.memref_slice %arg5[%dma_start3A_804, %dma_start3A_805, %dma_start3A_806] : memref<4x32x512xf32, #tpu.memory_space<vmem>> -> memref<1x16x512xf32, #tpu.memory_space<vmem>>
        %dma_start3A_808 = tpu.memref_squeeze %dma_start3A_807 : memref<1x16x512xf32, #tpu.memory_space<vmem>> -> memref<16x512xf32, #tpu.memory_space<vmem>>
        %dma_start3A_809 = arith.constant 0 : i32
        %dma_start3A_810 = tpu.memref_slice %arg2[%add3A_803, %dma_start3A_809] : memref<16384x512xf32, #tpu.memory_space<hbm>> -> memref<16x512xf32, #tpu.memory_space<hbm>>
        %dma_start3A_811 = arith.constant 16 : i32
        %dma_start3A_812 = arith.constant 0 : i32
        %dma_start3A_813 = tpu.memref_slice %arg5[%dma_start3A_804, %dma_start3A_811, %dma_start3A_812] : memref<4x32x512xf32, #tpu.memory_space<vmem>> -> memref<1x16x512xf32, #tpu.memory_space<vmem>>
        %dma_start3A_814 = tpu.memref_squeeze %dma_start3A_813 : memref<1x16x512xf32, #tpu.memory_space<vmem>> -> memref<16x512xf32, #tpu.memory_space<vmem>>
        %dma_start3A_815 = arith.constant 0 : i32
        %dma_start3A_816 = tpu.memref_slice %arg2[%add3A_803, %dma_start3A_815] : memref<16384x512xf32, #tpu.memory_space<hbm>> -> memref<16x512xf32, #tpu.memory_space<hbm>>
        tpu.enqueue_dma source(%dma_start3A_816 : memref<16x512xf32, #tpu.memory_space<hbm>>) target(%dma_start3A_814 : memref<16x512xf32, #tpu.memory_space<vmem>>) target_semaphore(%arg13 : memref<!tpu.dma_semaphore, #tpu.memory_space<semaphore_mem>>)
      } else {
      }
      %mul3A_765 = arith.constant 32 : i32
      %mul3A_766 = arith.muli %add3A_717, %mul3A_765 : i32
      %add3A_767 = arith.addi %mul3A_2, %mul3A_766 : i32
      %dma_start3A_768 = arith.constant 1 : i32
      %dma_start3A_769 = arith.constant 0 : i32
      %dma_start3A_770 = arith.constant 0 : i32
      %dma_start3A_771 = tpu.memref_slice %arg6[%dma_start3A_768, %dma_start3A_769, %dma_start3A_770] : memref<2x32x256xf32, #tpu.memory_space<vmem>> -> memref<1x32x256xf32, #tpu.memory_space<vmem>>
      %dma_start3A_772 = tpu.memref_squeeze %dma_start3A_771 : memref<1x32x256xf32, #tpu.memory_space<vmem>> -> memref<32x256xf32, #tpu.memory_space<vmem>>
      %dma_start3A_773 = arith.constant 0 : i32
      %dma_start3A_774 = tpu.memref_slice %arg4[%add3A_767, %dma_start3A_773] : memref<16384x256xf32, #tpu.memory_space<hbm>> -> memref<32x256xf32, #tpu.memory_space<hbm>>
      %dma_start3A_775 = arith.constant 0 : i32
      %dma_start3A_776 = tpu.memref_slice %arg4[%add3A_767, %dma_start3A_775] : memref<16384x256xf32, #tpu.memory_space<hbm>> -> memref<32x256xf32, #tpu.memory_space<hbm>>
      %dma_start3A_777 = arith.constant 0 : i32
      %dma_start3A_778 = arith.constant 0 : i32
      %dma_start3A_779 = tpu.memref_slice %arg6[%dma_start3A_768, %dma_start3A_777, %dma_start3A_778] : memref<2x32x256xf32, #tpu.memory_space<vmem>> -> memref<1x32x256xf32, #tpu.memory_space<vmem>>
      %dma_start3A_780 = tpu.memref_squeeze %dma_start3A_779 : memref<1x32x256xf32, #tpu.memory_space<vmem>> -> memref<32x256xf32, #tpu.memory_space<vmem>>
      tpu.enqueue_dma source(%dma_start3A_780 : memref<32x256xf32, #tpu.memory_space<vmem>>) target(%dma_start3A_776 : memref<32x256xf32, #tpu.memory_space<hbm>>) target_semaphore(%arg19 : memref<!tpu.dma_semaphore, #tpu.memory_space<semaphore_mem>>)
    }
    %scan3A_512 = arith.constant 4 : i32
    %add3A_513 = arith.constant 448 : i32
    %add3A_514 = arith.addi %mul3A_2, %add3A_513 : i32
    %dma_wait3A = arith.constant 0 : i32
    %dma_wait3A_515 = arith.constant 0 : i32
    %dma_wait3A_516 = arith.constant 0 : i32
    %dma_wait3A_517 = tpu.memref_slice %arg6[%dma_wait3A, %dma_wait3A_515, %dma_wait3A_516] : memref<2x32x256xf32, #tpu.memory_space<vmem>> -> memref<1x32x256xf32, #tpu.memory_space<vmem>>
    %dma_wait3A_518 = tpu.memref_squeeze %dma_wait3A_517 : memref<1x32x256xf32, #tpu.memory_space<vmem>> -> memref<32x256xf32, #tpu.memory_space<vmem>>
    %dma_wait3A_519 = arith.constant 0 : i32
    %dma_wait3A_520 = tpu.memref_slice %arg4[%add3A_514, %dma_wait3A_519] : memref<16384x256xf32, #tpu.memory_space<hbm>> -> memref<32x256xf32, #tpu.memory_space<hbm>>
    %dma_wait3A_521 = arith.constant 0 : i32
    %dma_wait3A_522 = tpu.memref_slice %arg4[%add3A_514, %dma_wait3A_521] : memref<16384x256xf32, #tpu.memory_space<hbm>> -> memref<32x256xf32, #tpu.memory_space<hbm>>
    %dma_wait3A_523 = arith.constant 0 : i32
    %dma_wait3A_524 = arith.constant 0 : i32
    %dma_wait3A_525 = tpu.memref_slice %arg6[%dma_wait3A, %dma_wait3A_523, %dma_wait3A_524] : memref<2x32x256xf32, #tpu.memory_space<vmem>> -> memref<1x32x256xf32, #tpu.memory_space<vmem>>
    %dma_wait3A_526 = tpu.memref_squeeze %dma_wait3A_525 : memref<1x32x256xf32, #tpu.memory_space<vmem>> -> memref<32x256xf32, #tpu.memory_space<vmem>>
    tpu.wait_dma2 semaphore(%arg18 : memref<!tpu.dma_semaphore, #tpu.memory_space<semaphore_mem>>) src(%dma_wait3A_526 : memref<32x256xf32, #tpu.memory_space<vmem>>) dst(%dma_wait3A_522 : memref<32x256xf32, #tpu.memory_space<hbm>>)
    %add3A_527 = arith.constant 480 : i32
    %add3A_528 = arith.addi %mul3A_2, %add3A_527 : i32
    %dma_wait3A_529 = arith.constant 1 : i32
    %dma_wait3A_530 = arith.constant 0 : i32
    %dma_wait3A_531 = arith.constant 0 : i32
    %dma_wait3A_532 = tpu.memref_slice %arg6[%dma_wait3A_529, %dma_wait3A_530, %dma_wait3A_531] : memref<2x32x256xf32, #tpu.memory_space<vmem>> -> memref<1x32x256xf32, #tpu.memory_space<vmem>>
    %dma_wait3A_533 = tpu.memref_squeeze %dma_wait3A_532 : memref<1x32x256xf32, #tpu.memory_space<vmem>> -> memref<32x256xf32, #tpu.memory_space<vmem>>
    %dma_wait3A_534 = arith.constant 0 : i32
    %dma_wait3A_535 = tpu.memref_slice %arg4[%add3A_528, %dma_wait3A_534] : memref<16384x256xf32, #tpu.memory_space<hbm>> -> memref<32x256xf32, #tpu.memory_space<hbm>>
    %dma_wait3A_536 = arith.constant 0 : i32
    %dma_wait3A_537 = tpu.memref_slice %arg4[%add3A_528, %dma_wait3A_536] : memref<16384x256xf32, #tpu.memory_space<hbm>> -> memref<32x256xf32, #tpu.memory_space<hbm>>
    %dma_wait3A_538 = arith.constant 0 : i32
    %dma_wait3A_539 = arith.constant 0 : i32
    %dma_wait3A_540 = tpu.memref_slice %arg6[%dma_wait3A_529, %dma_wait3A_538, %dma_wait3A_539] : memref<2x32x256xf32, #tpu.memory_space<vmem>> -> memref<1x32x256xf32, #tpu.memory_space<vmem>>
    %dma_wait3A_541 = tpu.memref_squeeze %dma_wait3A_540 : memref<1x32x256xf32, #tpu.memory_space<vmem>> -> memref<32x256xf32, #tpu.memory_space<vmem>>
    tpu.wait_dma2 semaphore(%arg19 : memref<!tpu.dma_semaphore, #tpu.memory_space<semaphore_mem>>) src(%dma_wait3A_541 : memref<32x256xf32, #tpu.memory_space<vmem>>) dst(%dma_wait3A_537 : memref<32x256xf32, #tpu.memory_space<hbm>>)
    return
  }
}

</mosaic_0001>

<sc_bundles>
// kernel: kernel.3.cloned.1.call-start
scs
__scs_entry_jumppad:
0x0: {  	(pc) =	sbr.rel $0x88, $3  }
0x1: {  	(tag) =	ssettag $0x0;
	lr =	simm.s32 $0x1  }
0x2: {  	[smem:$0x3F9F] =	sst lr;
	_ =	strace $0xD0000000  }
0x3: {  	_ = 	snop  }
0x4: {  	_ = 	snop  }
0x5: {  	_ = 	snop  }
0x6: {  	_ = 	snop  }
0x7: {  	_ = 	snop  }
__scs_overlays_trampoline_lowered:
0x8: {  	[smem:$0x3FAE] =	sst s0  }
0x9: {  	[smem:$0x3FAF] =	sst s1  }
0xa: {  	[smem:$0x3FB0] =	sst s2  }
0xb: {  	[smem:$0x3FB1] =	sst s3  }
0xc: {  	[smem:$0x3FB2] =	sst s4  }
0xd: {  	[smem:$0x3FB3] =	sst s5  }
0xe: {  	[smem:$0x3FB4] =	sst s6  }
0xf: {  	[smem:$0x3FB5] =	sst s7  }
0x10: {  	[smem:$0x3FB6] =	sst s8  }
0x11: {  	[smem:$0x3FB7] =	sst s9;
	s0 =	simm.s32 @!p0 $0x0  }
0x12: {  	s1 =	sld [smem:$0x3F9D];
	s0 =	simm.s32 @p0 $0x1  }
0x13: {  	[smem:$0x3FB8] =	sst s0;
	s0 =	simm.s32 @!p1 $0x0  }
0x14: {  	s2 =	sld [smem:$0x3F9C];
	s0 =	simm.s32 @p1 $0x1  }
0x15: {  	[smem:$0x3FB9] =	sst s0;
	s0 =	simm.s32 @!p2 $0x0  }
0x16: {  	s3 =	sld [smem:$0x3FDB];
	s0 =	simm.s32 @p2 $0x1  }
0x17: {  	s4 =	simm.s32 $0x1BF5;
	[smem:$0x3FBB] =	sst s0  }
0x18: {  	s0 =	sld [smem:$0x3F9E];
	_ =	swait.ge [sflag:s4], $0x0  }
0x19: {  	s7 =	sld [smem:$0x3F9F]  }
0x1a: {  	s8 =	sadd.s32 $0xFFFFE003, lr  }
0x1b: {  	s9 =	sadd.s32 $0xFFFFFEF7, lr;
	s5 =	simm.s32 $0xFFFFFFFF;
	p2 =	slt.u32 s8, $0xFFFFF086  }
0x1c: {  	p1 =	slt.u32 s9, $0xF7A;
	s5 =	simm.s32 @!p2 $0x0  }
0x1d: {  	s5 =	simm.s32 @p1 $0x1;
	p0 =	seq.s32 s7, s2  }
0x1e: {  	s7 =	smul.u32 @!p0 $0xF7A, s2;
	p2 =	seq.s32 @!p0 s5, $0x0  }
0x1f: {  	s9 =	smul.u32 $0xF7A, s1;
	s8 =	simm.s32 @!p0 $0x1BF5;
	p2 =	por !p2, p0  }
0x20: {  	[sflag:s8] =	ssyncset.s32 @!p0 $0xFFFFF086;
	s6 =	sadd.s32 @!p0 s3, s7;
	s7 =	simm.s32 @!p0 $0x108  }
0x21: {  	s3 =	sadd.s32 s3, s9;
	s6 =	sadd.s32 @!p0 $0x88, s6;
	s7 =	simm.s32 @p2 $0x1082  }
0x22: {  	[simem:s7], [sflag:s8] =	dma.local @!p0 [hbm:s6], $0xF7A  }
0x23: {  	s9 =	sor.u32 $0xD0000000, s2;
	s6 =	simm.s32 $0x108;
	_ =	swait.ge @!p0 [sflag:s8], $0x0  }
0x24: {  	s3 =	sadd.s32 $0x88, s3;
	s6 =	simm.s32 @!p1 $0x1082;
	[sflag:s4] =	ssyncset.s32 $0xFFFFF086  }
0x25: {  	[simem:s6], [sflag:s4] =	dma.local [hbm:s3], $0xF7A  }
0x26: {  	[smem:$0x3F9F] =	sst s1;
	(tag) =	ssettag s2;
	_ =	strace s9  }
0x27: {  	s1 =	sld [smem:$0x3FAF]  }
0x28: {  	s2 =	sld [smem:$0x3FB0]  }
0x29: {  	s4 =	sld [smem:$0x3FB2]  }
0x2a: {  	p0 =	seq.s32 s5, $0x0;
	s5 =	sld [smem:$0x3FB3]  }
0x2b: {  	s6 =	sld [smem:$0x3FB4]  }
0x2c: {  	s7 =	sld [smem:$0x3FB5]  }
0x2d: {  	s3 =	simm.s32 $0x108;
	s8 =	sld [smem:$0x3FB6]  }
0x2e: {  	s3 =	simm.s32 @!p0 $0x1082;
	s9 =	sld [smem:$0x3FB7]  }
0x2f: {  	lr =	sadd.s32 s0, s3;
	s0 =	sld [smem:$0x3FAE]  }
0x30: {  	s3 =	sld [smem:$0x3FB1]  }
0x31: {  	[smem:$0x3FBA] =	sst s10  }
0x32: {  	s10 =	sld [smem:$0x3FB8];
	_ =	sdelay $0x3  }
0x33: {  	p0 =	seq.s32 s10, $0x1;
	s10 =	sld [smem:$0x3FBA];
	_ =	sdelay $0x3  }
0x34: {  	[smem:$0x3FBA] =	sst s10  }
0x35: {  	s10 =	sld [smem:$0x3FB9];
	_ =	sdelay $0x3  }
0x36: {  	p1 =	seq.s32 s10, $0x1;
	s10 =	sld [smem:$0x3FBA];
	_ =	sdelay $0x3  }
0x37: {  	[smem:$0x3FBA] =	sst s10  }
0x38: {  	s10 =	sld [smem:$0x3FBB]  }
0x39: {  	_ = 	snop;
	(pc) =	sbr.ind lr, $3  }
0x3a: {  	_ = 	snop  }
0x3b: {  	_ = 	snop  }
0x3c: {  	p2 =	seq.s32 s10, $0x1;
	s10 =	sld [smem:$0x3FBA]  }
0x3d: {  	_ =	shalt  }
0x3e: {  	_ =	shalt  }
0x3f: {  	_ =	shalt  }
0x40: {  	_ =	shalt  }
0x41: {  	_ =	shalt  }
0x42: {  	_ =	shalt  }
0x43: {  	_ =	shalt  }
0x44: {  	_ =	shalt  }
0x45: {  	_ =	shalt  }
0x46: {  	_ =	shalt  }
0x47: {  	_ =	shalt  }
0x48: {  	_ =	shalt  }
0x49: {  	_ =	shalt  }
0x4a: {  	_ =	shalt  }
0x4b: {  	_ =	shalt  }
0x4c: {  	_ =	shalt  }
0x4d: {  	_ =	shalt  }
0x4e: {  	_ =	shalt  }
0x4f: {  	_ =	shalt  }
0x50: {  	_ =	shalt  }
0x51: {  	_ =	shalt  }
0x52: {  	_ =	shalt  }
0x53: {  	_ =	shalt  }
0x54: {  	_ =	shalt  }
0x55: {  	_ =	shalt  }
0x56: {  	_ =	shalt  }
0x57: {  	_ =	shalt  }
0x58: {  	_ =	shalt  }
0x59: {  	_ =	shalt  }
0x5a: {  	_ =	shalt  }
0x5b: {  	_ =	shalt  }
0x5c: {  	_ =	shalt  }
0x5d: {  	_ =	shalt  }
0x5e: {  	_ =	shalt  }
0x5f: {  	_ =	shalt  }
0x60: {  	_ =	shalt  }
0x61: {  	_ =	shalt  }
0x62: {  	_ =	shalt  }
0x63: {  	_ =	shalt  }
0x64: {  	_ =	shalt  }
0x65: {  	_ =	shalt  }
0x66: {  	_ =	shalt  }
0x67: {  	_ =	shalt  }
0x68: {  	_ =	shalt  }
0x69: {  	_ =	shalt  }
0x6a: {  	_ =	shalt  }
0x6b: {  	_ =	shalt  }
0x6c: {  	_ =	shalt  }
0x6d: {  	_ =	shalt  }
0x6e: {  	_ =	shalt  }
0x6f: {  	_ =	shalt  }
0x70: {  	_ =	shalt  }
0x71: {  	_ =	shalt  }
0x72: {  	_ =	shalt  }
0x73: {  	_ =	shalt  }
0x74: {  	_ =	shalt  }
0x75: {  	_ =	shalt  }
0x76: {  	_ =	shalt  }
0x77: {  	_ =	shalt  }
0x78: {  	_ =	shalt  }
0x79: {  	_ =	shalt  }
0x7a: {  	_ =	shalt  }
0x7b: {  	_ =	shalt  }
0x7c: {  	_ =	shalt  }
0x7d: {  	_ =	shalt  }
0x7e: {  	_ =	shalt  }
0x7f: {  	_ =	shalt  }
0x80: {  	_ =	shalt  }
0x81: {  	_ =	shalt  }
0x82: {  	_ =	shalt  }
0x83: {  	_ =	shalt  }
0x84: {  	_ =	shalt  }
0x85: {  	_ =	shalt  }
0x86: {  	_ =	shalt  }
0x87: {  	_ =	shalt  }
.Lfunc_end0:
.L_simem_size_0:
called_computation_lowered:
.L_overlay_start_0:
0x88: {  	s2 =	sld [smem:$0x3FD9]  }
0x89: {  	s3 =	sld [smem:$0x3FFE];
	_ =	sdelay $0x1  }
0x8a: {  	s1 =	srdreg.scid  }
0x8b: {  	s0 =	sand.u32 $0x1, s1  }
0x8c: {  	s18 =	sshll.u32 s0, $0xA;
	s2 =	sadd.s32 s3, s2  }
0x8d: {  	s2 =	sadd.s32 s2, s18  }
0x8e: {  	[smem:$0x3FC6] =	sst s2  }
0x8f: {  	_ = 	snop  }
0x90: {  	s2 =	sld [smem:$0x3FC9]  }
0x91: {  	s19 =	sld [smem:$0x3FC8]  }
0x92: {  	s4 =	sld [smem:$0x3FD0];
	(tm) =	ssettm $0x1  }
0x93: {  	s5 =	sld [smem:$0x3FFB];
	_ =	sdelay $0x3  }
0x94: {  	_ =	strace s5  }
0x95: {  	s5 =	sld [smem:$0x3FFC];
	_ =	sdelay $0x3  }
0x96: {  	_ =	strace s5  }
0x97: {  	s5 =	sld [smem:$0x3FFD];
	_ =	sdelay $0x3  }
0x98: {  	_ =	strace s5  }
0x99: {  	_ =	strace $0x8FFFFFFF  }
0x9a: {  	s20 =	sld [smem:$0x3FDB];
	_ =	sdelay $0x1  }
0x9b: {  	s6 =	simm.s32 $_scs_section_size  }
0x9c: {  	s7 =	simm.s32 $_size__tile_overlayer_lowered;
	s8 =	simm.s32 $_tile_overlayer_lowered  }
0x9d: {  	s23 =	simm.s32 $0x1BFF;
	s22 =	sshll.u32 s8, $0x1;
	s5 =	sadd.s32 s6, s20  }
0x9e: {  	s9 =	simm.s32 $0x0;
	s21 =	sshll.u32 s7, $0x1;
	s7 =	sadd.s32 s22, s5  }
0x9f: {  	[timem:s9], [sflag:s23] =	dma.local [hbm:s7], s21  }
0xa0: {  	_ =	swait.ge [sflag:s23], s21  }
0xa1: {  	s6 =	ssub.s32 $0x0, s21;
	[sflag:s23] =	ssyncset.done $0x0  }
0xa2: {  	[sflag:s23] =	ssyncadd.s32 s6;
	_ =	sdelay $0x1  }
0xa3: {  	s24 =	simm.s32 $0x1B8B  }
0xa4: {  	_ =	swait.ge [sflag:s24], $0x1  }
0xa5: {  	[sflag:s24] =	ssyncset.done $0x0  }
0xa6: {  	s25 =	simm.s32 $0x1B8E;
	[sflag:s24] =	ssyncadd.s32 $0xFFFFFFFF  }
0xa7: {  	s26 =	simm.s32 $execute0_lowered;
	[smem:$0x3FD2] =	sst s25  }
0xa8: {  	s6 =	sshll.u32 s26, $0x1;
	_ =	strace $0x80000046;
	[dreg:$0x1] =	wrdreg $0xFFFFFFFF  }
0xa9: {  	s28 =	simm.s32 $_size_execute0_lowered;
	s5 =	sadd.s32 s5, s6;
	[dreg:$0x0] =	wrdreg $0x0  }
0xaa: {  	s6 =	sshll.u32 s28, $0x1;
	[dreg:$0x2] =	wrdreg s5  }
0xab: {  	[dreg:$0x3] =	wrdreg s6  }
0xac: {  	[dreg:$0x4] =	wrdreg $0xC0  }
0xad: {  	_ =	task [dreg:s9], $0x5FFFF  }
0xae: {  	[dreg:$0x1] =	wrdreg $0xFFFFFFFF  }
0xaf: {  	[dreg:$0x0] =	wrdreg $0x60  }
0xb0: {  	[dreg:$0x2] =	wrdreg s2  }
0xb1: {  	[dreg:$0x3] =	wrdreg s19  }
0xb2: {  	[dreg:$0x4] =	wrdreg s4  }
0xb3: {  	[dreg:$0x5] =	wrdreg $0x9  }
0xb4: {  	_ =	task.clear_ibuf [dreg:s9], $0x6FFFF;
	_ =	strace $0x90000046  }
0xb5: {  	s29 =	simm.s32 $0x9;
	_ =	strace $0x80000048  }
0xb6: {  	_ =	swait.ge [sflag:s29], $0x1  }
0xb7: {  	[sflag:s29] =	ssyncadd.s32 $0xFFFFFFFF  }
0xb8: {  	_ =	strace $0x90000048  }
0xb9: {  	_ =	sfence  }
0xba: {  	s30 =	sld [smem:$0x0];
	_ =	sdelay $0x2  }
0xbb: {  	s31 =	sshll.u32 s1, $0xD;
	s1 =	sshrl.u32 s1, $0x2  }
0xbc: {  	s3 =	sand.u32 $0x4000, s31;
	s1 =	sadd.s32 s1, s30  }
0xbd: {  	s0 =	sor.u32 s3, s0;
	s1 =	sshll.u32 s1, $0x11  }
0xbe: {  	s0 =	sor.u32 s1, s0  }
0xbf: {  	s0 =	sadd.s32 $0x8F2B, s0  }
0xc0: {  	[sflag:s0] =	ssyncadd.remote.s32 $0x1  }
0xc1: {  	_ =	sfence.sel $0xFFFF  }
0xc2: {  	[dreg:$0x0] =	wrdreg $0xFFFFFFFF;
	(pc) =	sbr.abs _section_cstart, $3  }
0xc3: {  	[dreg:$0x1] =	wrdreg $0xFFFFFFFF  }
0xc4: {  	_ =	task.clear_ibuf [dreg:s9], $0x2FFFF;
	_ =	strace $0x9FFFFFFF  }
0xc5: {  	(tm) =	ssettm $0x7FFFFFFF  }
tec
execute0_lowered:
.L_overlay_start_1:
0x0: {  	(tag) =	ssettag $0x1  }
0x1: {  	s1 =	rddreg [dreg:$0x0];
	s0 =	srdreg.scid  }
0x2: {  	s31 =	rddreg [dreg:$0x2];
	s2 =	stileid.u32;
	s0 =	sand.u32 $0x1, s0  }
0x3: {  	s23 =	simm.s32 $0x0;
	s2 =	sshll.u32 s2, $0xA;
	s3 =	sshll.u32 s0, $0x9  }
0x4: {  	[smem:$0x7FF] =	sst s23;
	s8 =	sadd.s32 $0x400, s1;
	s4 =	sor.u32 s3, s2  }
0x5: {  	_ =	strace $0x80000047;
	s26 =	sor.u32 $0x80, s4;
	[dreg:$0x4] =	wrdreg s4  }
0x6: {  	s0 =	ssub.s32 $0x2, s0;
	s28 =	sor.u32 $0xA0, s4;
	[dreg:$0xd] =	wrdreg s26  }
0x7: {  	s17 =	sshrl.u32 s0, $0x1;
	s29 =	sor.u32 $0xC0, s4;
	[dreg:$0xf] =	wrdreg s28  }
0x8: {  	s2 =	sshll.u32 s4, $0x6;
	s30 =	sor.u32 $0xE0, s4;
	[dreg:$0x10] =	wrdreg s29  }
0x9: {  	s5 =	sadd.s32 s1, s2;
	s2 =	sadd.s32 s2, s8;
	[dreg:$0x11] =	wrdreg s30  }
0xa: {  	s0 =	ssub.s32 s0, s17;
	[dreg:$0x6] =	wrdreg s2  }
0xb: {  	s0 =	smax.u32 s0, $0x1;
	[dreg:$0x5] =	wrdreg s5  }
0xc: {  	s18 =	sadd.s32 $0x800, s5;
	[dreg:$0x12] =	wrdreg s0  }
0xd: {  	s19 =	sadd.s32 $0xC00, s5;
	[dreg:$0x7] =	wrdreg s18  }
0xe: {  	s20 =	sadd.s32 $0x1000, s5;
	[dreg:$0x8] =	wrdreg s19  }
0xf: {  	s21 =	sadd.s32 $0x1400, s5;
	[dreg:$0x9] =	wrdreg s20  }
0x10: {  	s22 =	sadd.s32 $0x1800, s5;
	[dreg:$0xa] =	wrdreg s21  }
0x11: {  	s25 =	sshll.u32 s4, $0x5;
	s24 =	sadd.s32 $0x1C00, s5;
	[dreg:$0xb] =	wrdreg s22  }
0x12: {  	s26 =	simm.s32 $0x6;
	s2 =	sadd.s32 s31, s25;
	[dreg:$0xc] =	wrdreg s24  }
0x13: {  	[dreg:$0xe] =	wrdreg s2;
	s24 =	simm.s32 $0x5;
	s2 =	simm.s32 $0x0  }
.LBB2_1:
0x14: {  	[dreg:$0x13] =	wrdreg s2  }
0x15: {  	s0 =	rddreg [dreg:$0x5]  }
0x16: {  	[tilespmem:s23], [sflag:$0x1] =	stream.linear.gather [hbm4b:s0+s23], $0x2000, $0x38;
	[tilespmem:$0x14300] =	vst v63  }
0x17: {  	s9 =	rddreg [dreg:$0x6];
	s10 =	simm.s32 $0x2000  }
0x18: {  	[tilespmem:s10], [sflag:$0x1] =	stream.linear.gather [hbm4b:s9+s23], $0x2000, $0x38;
	[tilespmem:$0x14300] =	vst v63  }
0x19: {  	s11 =	rddreg [dreg:$0x7];
	s12 =	simm.s32 $0x4000  }
0x1a: {  	[tilespmem:s12], [sflag:$0x2] =	stream.linear.gather [hbm4b:s11+s23], $0x2000, $0x38;
	[tilespmem:$0x14300] =	vst v63  }
0x1b: {  	s13 =	rddreg [dreg:$0x8];
	s14 =	simm.s32 $0x6000  }
0x1c: {  	[tilespmem:s14], [sflag:$0x2] =	stream.linear.gather [hbm4b:s13+s23], $0x2000, $0x38;
	[tilespmem:$0x14300] =	vst v63  }
0x1d: {  	s15 =	rddreg [dreg:$0x9];
	s16 =	simm.s32 $0x8000  }
0x1e: {  	[tilespmem:s16], [sflag:$0x3] =	stream.linear.gather [hbm4b:s15+s23], $0x2000, $0x38;
	[tilespmem:$0x14300] =	vst v63  }
0x1f: {  	s17 =	rddreg [dreg:$0xa];
	s18 =	simm.s32 $0xA000  }
0x20: {  	[tilespmem:s18], [sflag:$0x3] =	stream.linear.gather [hbm4b:s17+s23], $0x2000, $0x38;
	[tilespmem:$0x14300] =	vst v63  }
0x21: {  	s19 =	rddreg [dreg:$0xb];
	s20 =	simm.s32 $0xC000  }
0x22: {  	[tilespmem:s20], [sflag:$0x4] =	stream.linear.gather [hbm4b:s19+s23], $0x2000, $0x38;
	[tilespmem:$0x14300] =	vst v63  }
0x23: {  	s21 =	rddreg [dreg:$0xc];
	s22 =	simm.s32 $0xE000  }
0x24: {  	[tilespmem:s22], [sflag:$0x4] =	stream.linear.gather [hbm4b:s21+s23], $0x2000, $0x38;
	[tilespmem:$0x14300] =	vst v63  }
0x25: {  	s25 =	rddreg [dreg:$0x1];
	s28 =	simm.s32 $0x14000;
	s30 =	simm.s32 $0x7  }
0x26: {  	[tilespmem:s28], [sflag:$0x7] =	stream.linear.gather [hbm4b:s25+s23], $0x100, $0x38;
	[tilespmem:$0x14300] =	vst v63  }
0x27: {  	_ =	swait.ge [sflag:s30], $0x100  }
0x28: {  	[sflag:s30] =	ssyncset.done $0x0  }
0x29: {  	[sflag:s30] =	ssyncadd.s32 $0xFFFFFF00  }
0x2a: {  	v0 =	vld [tilespmem:$0x14000];
	_ =	sdelay $0x4  }
0x2b: {  	v0 =	vsub.f32 $0.0e+00, v0;
	_ =	sdelay $0x1  }
0x2c: {  	v0 =	vmul.f32 $1.442695020e+00, v0;
	_ =	sdelay $0x1  }
0x2d: {  	(erf) = vpow2.f32 v0;
	_ =	sdelay $0x3  }
0x2e: {  	v27 =	vld [tilespmem:$0x14010];
	_ =	sdelay $0x4  }
0x2f: {  	v0 =	vsub.f32 $0.0e+00, v27;
	v1 =	vpop (erf)  }
0x30: {  	v1 =	vadd.f32 $1.000000000e+00, v1  }
0x31: {  	v0 =	vmul.f32 $1.442695020e+00, v0  }
0x32: {  	(erf) = vrcp.f32 v1  }
0x33: {  	(erf) = vpow2.f32 v0;
	_ =	sdelay $0x3  }
0x34: {  	v28 =	vld [tilespmem:$0x14020];
	_ =	sdelay $0x3  }
0x35: {  	v1 =	vpop (erf)  }
0x36: {  	v0 =	vsub.f32 $0.0e+00, v28;
	v2 =	vpop (erf)  }
0x37: {  	v2 =	vadd.f32 $1.000000000e+00, v2  }
0x38: {  	v0 =	vmul.f32 $1.442695020e+00, v0  }
0x39: {  	(erf) = vrcp.f32 v2  }
0x3a: {  	(erf) = vpow2.f32 v0;
	_ =	sdelay $0x3  }
0x3b: {  	v29 =	vld [tilespmem:$0x14030];
	_ =	sdelay $0x3  }
0x3c: {  	v2 =	vpop (erf)  }
0x3d: {  	v0 =	vsub.f32 $0.0e+00, v29;
	v3 =	vpop (erf)  }
0x3e: {  	v3 =	vadd.f32 $1.000000000e+00, v3  }
0x3f: {  	v0 =	vmul.f32 $1.442695020e+00, v0  }
0x40: {  	(erf) = vrcp.f32 v3  }
0x41: {  	(erf) = vpow2.f32 v0;
	_ =	sdelay $0x3  }
0x42: {  	v30 =	vld [tilespmem:$0x14040];
	_ =	sdelay $0x3  }
0x43: {  	v3 =	vpop (erf)  }
0x44: {  	v0 =	vsub.f32 $0.0e+00, v30;
	v4 =	vpop (erf)  }
0x45: {  	v4 =	vadd.f32 $1.000000000e+00, v4  }
0x46: {  	v0 =	vmul.f32 $1.442695020e+00, v0  }
0x47: {  	(erf) = vrcp.f32 v4  }
0x48: {  	(erf) = vpow2.f32 v0;
	_ =	sdelay $0x3  }
0x49: {  	v31 =	vld [tilespmem:$0x14050];
	_ =	sdelay $0x3  }
0x4a: {  	v4 =	vpop (erf)  }
0x4b: {  	v0 =	vsub.f32 $0.0e+00, v31;
	v5 =	vpop (erf)  }
0x4c: {  	v5 =	vadd.f32 $1.000000000e+00, v5  }
0x4d: {  	v0 =	vmul.f32 $1.442695020e+00, v0  }
0x4e: {  	(erf) = vrcp.f32 v5  }
0x4f: {  	(erf) = vpow2.f32 v0;
	_ =	sdelay $0x3  }
0x50: {  	v32 =	vld [tilespmem:$0x14060];
	_ =	sdelay $0x3  }
0x51: {  	v5 =	vpop (erf)  }
0x52: {  	v0 =	vsub.f32 $0.0e+00, v32;
	v6 =	vpop (erf)  }
0x53: {  	v6 =	vadd.f32 $1.000000000e+00, v6  }
0x54: {  	v0 =	vmul.f32 $1.442695020e+00, v0  }
0x55: {  	(erf) = vrcp.f32 v6  }
0x56: {  	(erf) = vpow2.f32 v0;
	_ =	sdelay $0x3  }
0x57: {  	v33 =	vld [tilespmem:$0x14070];
	_ =	sdelay $0x3  }
0x58: {  	v6 =	vpop (erf)  }
0x59: {  	v0 =	vsub.f32 $0.0e+00, v33;
	v7 =	vpop (erf)  }
0x5a: {  	v7 =	vadd.f32 $1.000000000e+00, v7  }
0x5b: {  	v0 =	vmul.f32 $1.442695020e+00, v0  }
0x5c: {  	(erf) = vrcp.f32 v7  }
0x5d: {  	(erf) = vpow2.f32 v0;
	_ =	sdelay $0x3  }
0x5e: {  	v34 =	vld [tilespmem:$0x14080];
	_ =	sdelay $0x3  }
0x5f: {  	v7 =	vpop (erf)  }
0x60: {  	v0 =	vsub.f32 $0.0e+00, v34;
	v8 =	vpop (erf)  }
0x61: {  	v8 =	vadd.f32 $1.000000000e+00, v8  }
0x62: {  	v0 =	vmul.f32 $1.442695020e+00, v0  }
0x63: {  	(erf) = vrcp.f32 v8  }
0x64: {  	(erf) = vpow2.f32 v0;
	_ =	sdelay $0x3  }
0x65: {  	v35 =	vld [tilespmem:$0x14090];
	_ =	sdelay $0x3  }
0x66: {  	v8 =	vpop (erf)  }
0x67: {  	v0 =	vsub.f32 $0.0e+00, v35;
	v9 =	vpop (erf)  }
0x68: {  	v9 =	vadd.f32 $1.000000000e+00, v9  }
0x69: {  	v0 =	vmul.f32 $1.442695020e+00, v0  }
0x6a: {  	(erf) = vrcp.f32 v9  }
0x6b: {  	(erf) = vpow2.f32 v0;
	_ =	sdelay $0x3  }
0x6c: {  	v36 =	vld [tilespmem:$0x140A0];
	_ =	sdelay $0x3  }
0x6d: {  	v9 =	vpop (erf)  }
0x6e: {  	v0 =	vsub.f32 $0.0e+00, v36;
	v10 =	vpop (erf)  }
0x6f: {  	v10 =	vadd.f32 $1.000000000e+00, v10  }
0x70: {  	v0 =	vmul.f32 $1.442695020e+00, v0  }
0x71: {  	(erf) = vrcp.f32 v10  }
0x72: {  	(erf) = vpow2.f32 v0;
	_ =	sdelay $0x3  }
0x73: {  	v37 =	vld [tilespmem:$0x140B0];
	_ =	sdelay $0x3  }
0x74: {  	v10 =	vpop (erf)  }
0x75: {  	v0 =	vsub.f32 $0.0e+00, v37;
	v11 =	vpop (erf)  }
0x76: {  	v11 =	vadd.f32 $1.000000000e+00, v11  }
0x77: {  	v0 =	vmul.f32 $1.442695020e+00, v0  }
0x78: {  	(erf) = vrcp.f32 v11  }
0x79: {  	(erf) = vpow2.f32 v0;
	_ =	sdelay $0x3  }
0x7a: {  	v38 =	vld [tilespmem:$0x140C0];
	_ =	sdelay $0x3  }
0x7b: {  	v11 =	vpop (erf)  }
0x7c: {  	v0 =	vsub.f32 $0.0e+00, v38;
	v12 =	vpop (erf)  }
0x7d: {  	v12 =	vadd.f32 $1.000000000e+00, v12  }
0x7e: {  	v0 =	vmul.f32 $1.442695020e+00, v0  }
0x7f: {  	(erf) = vrcp.f32 v12  }
0x80: {  	(erf) = vpow2.f32 v0;
	_ =	sdelay $0x3  }
0x81: {  	v39 =	vld [tilespmem:$0x140D0];
	_ =	sdelay $0x3  }
0x82: {  	v12 =	vpop (erf)  }
0x83: {  	v0 =	vsub.f32 $0.0e+00, v39;
	v13 =	vpop (erf)  }
0x84: {  	v13 =	vadd.f32 $1.000000000e+00, v13  }
0x85: {  	v0 =	vmul.f32 $1.442695020e+00, v0  }
0x86: {  	(erf) = vrcp.f32 v13  }
0x87: {  	(erf) = vpow2.f32 v0;
	_ =	sdelay $0x3  }
0x88: {  	v40 =	vld [tilespmem:$0x140E0];
	_ =	sdelay $0x3  }
0x89: {  	v13 =	vpop (erf)  }
0x8a: {  	v0 =	vsub.f32 $0.0e+00, v40;
	v14 =	vpop (erf)  }
0x8b: {  	v14 =	vadd.f32 $1.000000000e+00, v14  }
0x8c: {  	v0 =	vmul.f32 $1.442695020e+00, v0  }
0x8d: {  	(erf) = vrcp.f32 v14  }
0x8e: {  	(erf) = vpow2.f32 v0;
	_ =	sdelay $0x3  }
0x8f: {  	v41 =	vld [tilespmem:$0x140F0]  }
0x90: {  	v42 =	vsub.f32 $1.000000000e+00, v1  }
0x91: {  	[tilespmem:$0x14100] =	vst v1  }
0x92: {  	[tilespmem:$0x14200] =	vst v42;
	v43 =	vsub.f32 $1.000000000e+00, v2  }
0x93: {  	[tilespmem:$0x14110] =	vst v2;
	v44 =	vpop (erf)  }
0x94: {  	[tilespmem:$0x14210] =	vst v43;
	v45 =	vsub.f32 $1.000000000e+00, v3;
	v0 =	vsub.f32 $0.0e+00, v41;
	v46 =	vpop (erf)  }
0x95: {  	[tilespmem:$0x14120] =	vst v3;
	v47 =	vadd.f32 $1.000000000e+00, v46  }
0x96: {  	[tilespmem:$0x14220] =	vst v45;
	v48 =	vsub.f32 $1.000000000e+00, v4;
	v0 =	vmul.f32 $1.442695020e+00, v0  }
0x97: {  	[tilespmem:$0x14130] =	vst v4;
	(erf) = vrcp.f32 v47  }
0x98: {  	[tilespmem:$0x14230] =	vst v48;
	v49 =	vsub.f32 $1.000000000e+00, v5;
	(erf) = vpow2.f32 v0  }
0x99: {  	[tilespmem:$0x14140] =	vst v5  }
0x9a: {  	[tilespmem:$0x14240] =	vst v49;
	v50 =	vsub.f32 $1.000000000e+00, v6  }
0x9b: {  	[tilespmem:$0x14150] =	vst v6  }
0x9c: {  	[tilespmem:$0x14250] =	vst v50;
	v51 =	vsub.f32 $1.000000000e+00, v7  }
0x9d: {  	[tilespmem:$0x14160] =	vst v7  }
0x9e: {  	[tilespmem:$0x14260] =	vst v51;
	v52 =	vsub.f32 $1.000000000e+00, v8  }
0x9f: {  	[tilespmem:$0x14170] =	vst v8  }
0xa0: {  	[tilespmem:$0x14270] =	vst v52;
	v54 =	vsub.f32 $1.000000000e+00, v9;
	v53 =	vpop (erf)  }
0xa1: {  	[tilespmem:$0x14180] =	vst v9;
	v55 =	vpop (erf)  }
0xa2: {  	[tilespmem:$0x14280] =	vst v54;
	v56 =	vsub.f32 $1.000000000e+00, v10;
	v3 =	vadd.f32 $1.000000000e+00, v55  }
0xa3: {  	[tilespmem:$0x14190] =	vst v10  }
0xa4: {  	[tilespmem:$0x14290] =	vst v56;
	v57 =	vsub.f32 $1.000000000e+00, v11;
	(erf) = vrcp.f32 v3  }
0xa5: {  	[tilespmem:$0x141A0] =	vst v11  }
0xa6: {  	[tilespmem:$0x142A0] =	vst v57;
	v58 =	vsub.f32 $1.000000000e+00, v12  }
0xa7: {  	[tilespmem:$0x141B0] =	vst v12  }
0xa8: {  	[tilespmem:$0x142B0] =	vst v58;
	v59 =	vsub.f32 $1.000000000e+00, v13  }
0xa9: {  	[tilespmem:$0x141C0] =	vst v13  }
0xaa: {  	[tilespmem:$0x142C0] =	vst v59;
	v60 =	vsub.f32 $1.000000000e+00, v44  }
0xab: {  	[tilespmem:$0x141D0] =	vst v44  }
0xac: {  	[tilespmem:$0x142D0] =	vst v60;
	v61 =	vsub.f32 $1.000000000e+00, v53  }
0xad: {  	[tilespmem:$0x141E0] =	vst v53;
	v62 =	vpop (erf)  }
0xae: {  	[tilespmem:$0x142E0] =	vst v61;
	v63 =	vsub.f32 $1.000000000e+00, v62  }
0xaf: {  	[tilespmem:$0x141F0] =	vst v62  }
0xb0: {  	s29 =	simm.s32 $0x0;
	[tilespmem:$0x142F0] =	vst v63  }
.LBB2_2:
0xb1: {  	s0 =	simm.s32 $0x1  }
0xb2: {  	_ =	swait.ge [sflag:s0], $0x4000  }
0xb3: {  	p1 =	seq.s32 s29, $0x0;
	[sflag:s0] =	ssyncset.done $0x0  }
0xb4: {  	s2 =	simm.s32 @!p1 $0x5;
	[sflag:s0] =	ssyncadd.s32 $0xFFFFC000  }
0xb5: {  	_ =	swait.ge @!p1 [sflag:s2], $0x2000  }
0xb6: {  	s25 =	smov.u32 s31;
	s30 =	sshll.u32 s29, $0x7;
	[sflag:s2] =	ssyncset.done @!p1 $0x0  }
0xb7: {  	s9 =	simm.s32 $0x0;
	s10 =	simm.s32 $0x0;
	[sflag:s2] =	ssyncadd.s32 @!p1 $0xFFFFE000  }
.LBB2_3:
0xb8: {  	s2 =	sshll.u32 s10, $0x4  }
0xb9: {  	s6 =	sand.u32 $0x70, s2  }
0xba: {  	v0 =	vmov s6  }
0xbb: {  	s19 =	sshll.u32 s10, $0x7;
	s7 =	simm.s32 $0x0  }
0xbc: {  	s18 =	sand.u32 $0x200, s9;
	s12 =	sand.u32 $0x400, s19;
	s20 =	sand.u32 $0x3FFFF000, s7  }
0xbd: {  	v1 =	vld [tilespmem:s2+$0x14100];
	s16 =	sor.u32 $0x180, s18;
	s6 =	sor.u32 s20, s12  }
0xbe: {  	v2 =	vld [tilespmem:s2+$0x14200];
	s21 =	sor.u32 $0x800, s6;
	s22 =	sadd.s32 s16, s6  }
0xbf: {  	s31 =	sadd.s32 s16, s21;
	v3 =	vld.idx.msk [tilespmem:v0+s22+$0x0 ss:$0x1], $0xffff  }
0xc0: {  	s19 =	sor.u32 $0x80, s18;
	s13 =	sadd.s32 s18, s21;
	v4 =	vld.idx.msk [tilespmem:v0+s31+$0x0 ss:$0x1], $0xffff  }
0xc1: {  	s4 =	simm.s32 $0x800;
	s14 =	simm.s32 $0x200;
	s0 =	sadd.s32 s19, s21;
	v5 =	vld.idx.msk [tilespmem:v0+s13+$0x0 ss:$0x1], $0xffff  }
0xc2: {  	s15 =	simm.s32 $0x4;
	s5 =	simm.s32 $0x0;
	s3 =	sadd.s32 s18, s6;
	v6 =	vld.idx.msk [tilespmem:v0+s0+$0x0 ss:$0x1], $0xffff  }
0xc3: {  	s7 =	sand.u32 $0x3FFFF000, s4;
	s20 =	sor.u32 $0x100, s18;
	s17 =	sadd.s32 s19, s6;
	v7 =	vld.idx.msk [tilespmem:v0+s3+$0x0 ss:$0x1], $0xffff  }
0xc4: {  	s11 =	sor.u32 $0x10000, s12;
	s2 =	sadd.s32 s20, s21;
	v8 =	vld.idx.msk [tilespmem:v0+s17+$0x0 ss:$0x1], $0xffff;
	s13 =	sand.u32 $0x200, s14  }
0xc5: {  	s6 =	sadd.s32 s20, s6;
	v9 =	vld.idx.msk [tilespmem:v0+s2+$0x0 ss:$0x1], $0xffff;
	s22 =	sor.u32 s7, s12;
	s7 =	sor.u32 $0x180, s13  }
0xc6: {  	v11 =	vld.idx.msk [tilespmem:v0+s6+$0x0 ss:$0x1], $0xffff;
	s2 =	sand.u32 $0x3FFFF800, s5;
	s31 =	sor.u32 $0x800, s22;
	s17 =	sadd.s32 s7, s22  }
0xc7: {  	s5 =	sadd.s32 s2, s11;
	s21 =	sor.u32 $0x80, s13;
	s3 =	sadd.s32 s13, s31;
	v10 =	vmul.f32 v3, v1;
	v4 =	vmul.f32 v4, v2;
	v3 =	vld.idx.msk [tilespmem:v0+s17+$0x0 ss:$0x1], $0xffff  }
0xc8: {  	s28 =	sor.u32 $0x100, s13;
	s0 =	sadd.s32 s7, s31;
	s16 =	sadd.s32 s16, s5;
	v12 =	vmul.f32 v5, v2;
	v7 =	vmul.f32 v7, v1;
	v5 =	vld.idx.msk [tilespmem:v0+s3+$0x0 ss:$0x1], $0xffff  }
0xc9: {  	s4 =	sadd.s32 s21, s31;
	s6 =	sadd.s32 s21, s22;
	s31 =	sadd.s32 s28, s31;
	v13 =	vmul.f32 v6, v2;
	v14 =	vmul.f32 v8, v1;
	v6 =	vadd.f32 v4, v10;
	v4 =	vld.idx.msk [tilespmem:v0+s0+$0x0 ss:$0x1], $0xffff  }
0xca: {  	s2 =	sadd.s32 s18, s5;
	s19 =	sadd.s32 s19, s5;
	s18 =	sadd.s32 s20, s5;
	v8 =	vmul.f32 v9, v2;
	v10 =	vadd.f32 v12, v7;
	v7 =	vld.idx.msk [tilespmem:v0+s31+$0x0 ss:$0x1], $0xffff  }
0xcb: {  	s20 =	simm.s32 $0x4;
	s17 =	sadd.s32 s13, s22;
	v11 =	vmul.f32 v11, v1;
	v9 =	vadd.f32 v13, v14;
	[tilespmem:v0+s16+$0x0 ss:$0x1] =	vst.idx.msk $0xffff, v6;
	v6 =	vld.idx.msk [tilespmem:v0+s4+$0x0 ss:$0x1], $0xffff;
	s16 =	sadd.s32 s28, s22  }
.LBB2_4:
0xcc: {  	s15 =	sadd.s32 $0x4, s15;
	v12 =	vld.idx.msk [tilespmem:v0+s17+$0x0 ss:$0x1], $0xffff;
	[tilespmem:v0+s2+$0x0 ss:$0x1] =	vst.idx.msk $0xffff, v10;
	s2 =	smov.u32 s7  }
0xcd: {  	v8 =	vadd.f32 v8, v11;
	s4 =	smov.u32 s21;
	s5 =	smov.u32 s28;
	s14 =	sadd.s32 $0x200, s14  }
0xce: {  	s7 =	sshll.u32 s15, $0x9;
	p0 =	slt.u32 s15, $0x1C;
	v10 =	vld.idx.msk [tilespmem:v0+s6+$0x0 ss:$0x1], $0xffff;
	[tilespmem:v0+s19+$0x0 ss:$0x1] =	vst.idx.msk $0xffff, v9;
	s22 =	sand.u32 $0x200, s14  }
0xcf: {  	s17 =	sshll.u32 s20, $0x8;
	v3 =	vmul.f32 v3, v1;
	v4 =	vmul.f32 v4, v2;
	s6 =	sand.u32 $0x3FFFF000, s7;
	v9 =	vld.idx.msk [tilespmem:v0+s16+$0x0 ss:$0x1], $0xffff;
	[tilespmem:v0+s18+$0x0 ss:$0x1] =	vst.idx.msk $0xffff, v8;
	s7 =	sor.u32 $0x180, s22  }
0xd0: {  	v11 =	vmul.f32 v5, v2;
	s21 =	sor.u32 $0x80, s22;
	s16 =	sor.u32 s6, s12;
	s6 =	sand.u32 $0x3FFFF800, s17  }
0xd1: {  	v13 =	vmul.f32 v6, v2;
	v5 =	vadd.f32 v4, v3;
	s18 =	sor.u32 $0x800, s16;
	s17 =	sadd.s32 s7, s16;
	s20 =	sadd.s32 s6, s11  }
.Ltmp0:
0xd2: {  	v8 =	vmul.f32 v7, v2;
	v3 =	vld.idx.msk [tilespmem:v0+s17+$0x0 ss:$0x1], $0xffff;
	s6 =	sadd.s32 s7, s18;
	s2 =	sadd.s32 s2, s20;
	(pc) =	sbr.rel @p0 .LBB2_4-.Ltmp0, $4  }
0xd3: {  	s28 =	sor.u32 $0x100, s22;
	s19 =	sadd.s32 s22, s18;
	s31 =	sadd.s32 s21, s18;
	v7 =	vmul.f32 v12, v1;
	v4 =	vld.idx.msk [tilespmem:v0+s6+$0x0 ss:$0x1], $0xffff;
	[tilespmem:v0+s2+$0x0 ss:$0x1] =	vst.idx.msk $0xffff, v5  }
0xd4: {  	s17 =	sadd.s32 s22, s16;
	s18 =	sadd.s32 s28, s18;
	s6 =	sadd.s32 s21, s16;
	v12 =	vmul.f32 v10, v1;
	v5 =	vld.idx.msk [tilespmem:v0+s19+$0x0 ss:$0x1], $0xffff  }
0xd5: {  	s16 =	sadd.s32 s28, s16;
	s2 =	sadd.s32 s13, s20;
	v10 =	vadd.f32 v11, v7;
	s19 =	sadd.s32 s4, s20;
	v11 =	vmul.f32 v9, v1;
	v6 =	vld.idx.msk [tilespmem:v0+s31+$0x0 ss:$0x1], $0xffff  }
0xd6: {  	s13 =	smov.u32 s22;
	v9 =	vadd.f32 v13, v12;
	v7 =	vld.idx.msk [tilespmem:v0+s18+$0x0 ss:$0x1], $0xffff;
	s18 =	sadd.s32 s5, s20;
	s20 =	smov.u32 s15  }
0xd7: {  	_ =	sdelay $0x3  }
0xd8: {  	v12 =	vld.idx.msk [tilespmem:v0+s17+$0x0 ss:$0x1], $0xffff  }
0xd9: {  	v13 =	vld.idx.msk [tilespmem:v0+s6+$0x0 ss:$0x1], $0xffff  }
0xda: {  	v14 =	vld.idx.msk [tilespmem:v0+s16+$0x0 ss:$0x1], $0xffff  }
0xdb: {  	[tilespmem:v0+s2+$0x0 ss:$0x1] =	vst.idx.msk $0xffff, v10;
	v8 =	vadd.f32 v8, v11  }
0xdc: {  	s22 =	sshll.u32 s20, $0x8;
	v3 =	vmul.f32 v3, v1;
	[tilespmem:v0+s19+$0x0 ss:$0x1] =	vst.idx.msk $0xffff, v9;
	v4 =	vmul.f32 v4, v2  }
0xdd: {  	s10 =	sadd.s32 $0x1, s10;
	s2 =	sand.u32 $0x3FFFF800, s22;
	[tilespmem:v0+s18+$0x0 ss:$0x1] =	vst.idx.msk $0xffff, v8;
	v5 =	vmul.f32 v5, v2;
	v59 =	vmul.f32 v12, v1  }
0xde: {  	p0 =	sne.s32 s10, $0x10;
	s2 =	sadd.s32 s2, s11;
	v6 =	vmul.f32 v6, v2;
	v3 =	vadd.f32 v4, v3;
	v60 =	vmul.f32 v13, v1  }
.Ltmp1:
0xdf: {  	s4 =	sadd.s32 s7, s2;
	v61 =	vmul.f32 v7, v2;
	v62 =	vmul.f32 v14, v1;
	v5 =	vadd.f32 v5, v59;
	(pc) =	sbr.rel @p0 .LBB2_3-.Ltmp1, $4  }
0xe0: {  	s31 =	sadd.s32 s13, s2;
	[tilespmem:v0+s4+$0x0 ss:$0x1] =	vst.idx.msk $0xffff, v3;
	v63 =	vadd.f32 v6, v60  }
0xe1: {  	s5 =	sadd.s32 s21, s2;
	v1 =	vadd.f32 v61, v62;
	[tilespmem:v0+s31+$0x0 ss:$0x1] =	vst.idx.msk $0xffff, v5  }
0xe2: {  	s2 =	sadd.s32 s28, s2;
	[tilespmem:v0+s5+$0x0 ss:$0x1] =	vst.idx.msk $0xffff, v63  }
0xe3: {  	[tilespmem:v0+s2+$0x0 ss:$0x1] =	vst.idx.msk $0xffff, v1  }
0xe4: {  	p0 =	seq.s32 s29, $0x3;
	s0 =	rddreg [dreg:$0xd]  }
0xe5: {  	s2 =	sadd.s32 @!p0 s30, s0  }
0xe6: {  	s2 =	sshll.u32 @!p0 s2, $0x6  }
0xe7: {  	s20 =	sshll.u32 s29, $0xC;
	s5 =	simm.s32 @!p0 $0x0;
	s4 =	sadd.s32 @!p0 s1, s2  }
0xe8: {  	[tilespmem:s5], [sflag:$0x1] =	stream.linear.gather @!p0 [hbm4b:s4+s5], $0x2000, $0x38;
	[tilespmem:$0x14300] =	vst v63  }
0xe9: {  	s21 =	rddreg [dreg:$0xe];
	s2 =	sadd.s32 @!p0 s2, s8;
	s4 =	simm.s32 @!p0 $0x2000  }
0xea: {  	[tilespmem:s4], [sflag:$0x1] =	stream.linear.gather @!p0 [hbm4b:s2+s5], $0x2000, $0x38;
	[tilespmem:$0x14300] =	vst v63  }
0xeb: {  	s22 =	simm.s32 $0x10000;
	s28 =	simm.s32 $0x2;
	s2 =	sadd.s32 s20, s21  }
0xec: {  	[hbm4b:s2+s23] =	stream.linear.scatter [tilespmem:s22], [sflag:$0x5], $0x2000, $0x38;
	[tilespmem:$0x14300] =	vst v63  }
0xed: {  	_ =	swait.ge [sflag:s28], $0x4000  }
0xee: {  	[sflag:s28] =	ssyncset.done $0x0  }
0xef: {  	s2 =	simm.s32 @!p1 $0x6;
	[sflag:s28] =	ssyncadd.s32 $0xFFFFC000  }
0xf0: {  	s31 =	rddreg [dreg:$0x4];
	_ =	swait.ge @!p1 [sflag:s2], $0x2000  }
0xf1: {  	s11 =	simm.s32 $0x0;
	s9 =	sadd.s32 s30, s31;
	[sflag:s2] =	ssyncset.done @!p1 $0x0  }
0xf2: {  	s12 =	simm.s32 $0x0;
	s10 =	sadd.s32 $0x20, s9;
	[sflag:s2] =	ssyncadd.s32 @!p1 $0xFFFFE000  }
.LBB2_7:
0xf3: {  	s2 =	sshll.u32 s12, $0x4  }
0xf4: {  	s4 =	sand.u32 $0x70, s2  }
0xf5: {  	s5 =	sshll.u32 s12, $0x7;
	v0 =	vmov s4  }
0xf6: {  	s22 =	simm.s32 $0x0;
	s21 =	sand.u32 $0x400, s5  }
0xf7: {  	s19 =	sand.u32 $0x200, s11;
	s5 =	sand.u32 $0x3FFFF000, s22;
	s14 =	sor.u32 $0x4000, s21  }
0xf8: {  	v1 =	vld [tilespmem:s2+$0x14100];
	s6 =	sor.u32 $0x180, s19;
	s5 =	sadd.s32 s5, s14  }
0xf9: {  	v2 =	vld [tilespmem:s2+$0x14200];
	s23 =	sadd.s32 $0x800, s5;
	s7 =	sadd.s32 s6, s5  }
0xfa: {  	s3 =	sadd.s32 s6, s23;
	v3 =	vld.idx.msk [tilespmem:v0+s7+$0x0 ss:$0x1], $0xffff  }
0xfb: {  	s20 =	sor.u32 $0x80, s19;
	s15 =	sadd.s32 s19, s23;
	v4 =	vld.idx.msk [tilespmem:v0+s3+$0x0 ss:$0x1], $0xffff  }
0xfc: {  	s18 =	simm.s32 $0x800;
	s0 =	sor.u32 $0x100, s19;
	s16 =	sadd.s32 s20, s5;
	v5 =	vld.idx.msk [tilespmem:v0+s15+$0x0 ss:$0x1], $0xffff  }
0xfd: {  	s22 =	simm.s32 $0x0;
	s13 =	sor.u32 $0x12000, s21;
	s15 =	sadd.s32 s19, s5;
	v8 =	vld.idx.msk [tilespmem:v0+s16+$0x0 ss:$0x1], $0xffff  }
0xfe: {  	s21 =	simm.s32 $0x200;
	s17 =	sadd.s32 s0, s5;
	s7 =	sadd.s32 s20, s23;
	v7 =	vld.idx.msk [tilespmem:v0+s15+$0x0 ss:$0x1], $0xffff  }
0xff: {  	s2 =	sadd.s32 s0, s23;
	s5 =	sand.u32 $0x3FFFF000, s18;
	v6 =	vld.idx.msk [tilespmem:v0+s7+$0x0 ss:$0x1], $0xffff;
	s15 =	sand.u32 $0x200, s21  }
0x100: {  	v9 =	vld.idx.msk [tilespmem:v0+s2+$0x0 ss:$0x1], $0xffff;
	s2 =	sand.u32 $0x3FFFF800, s22;
	s5 =	sadd.s32 s5, s14;
	s31 =	sor.u32 $0x180, s15  }
0x101: {  	v11 =	vld.idx.msk [tilespmem:v0+s17+$0x0 ss:$0x1], $0xffff;
	s7 =	simm.s32 $0x4;
	s4 =	sadd.s32 $0x800, s5;
	s16 =	sadd.s32 s31, s5  }
0x102: {  	s2 =	sadd.s32 s2, s13;
	s28 =	sor.u32 $0x80, s15;
	s22 =	sadd.s32 s15, s4;
	v10 =	vmul.f32 v3, v1;
	v4 =	vmul.f32 v4, v2;
	v3 =	vld.idx.msk [tilespmem:v0+s16+$0x0 ss:$0x1], $0xffff  }
0x103: {  	s17 =	sadd.s32 s6, s2;
	s6 =	sor.u32 $0x100, s15;
	s23 =	sadd.s32 s31, s4;
	v12 =	vmul.f32 v5, v2;
	v5 =	vld.idx.msk [tilespmem:v0+s22+$0x0 ss:$0x1], $0xffff;
	v7 =	vmul.f32 v7, v1  }
0x104: {  	s18 =	sadd.s32 s15, s5;
	s3 =	sadd.s32 s28, s4;
	s4 =	sadd.s32 s6, s4;
	v14 =	vmul.f32 v8, v1;
	v13 =	vmul.f32 v6, v2;
	v6 =	vadd.f32 v4, v10;
	v4 =	vld.idx.msk [tilespmem:v0+s23+$0x0 ss:$0x1], $0xffff  }
0x105: {  	s20 =	sadd.s32 s20, s2;
	s16 =	sadd.s32 s28, s5;
	v8 =	vmul.f32 v9, v2;
	s22 =	sadd.s32 s19, s2;
	v10 =	vadd.f32 v12, v7;
	v7 =	vld.idx.msk [tilespmem:v0+s4+$0x0 ss:$0x1], $0xffff  }
0x106: {  	v11 =	vmul.f32 v11, v1;
	s19 =	sadd.s32 s0, s2;
	s2 =	simm.s32 $0x4;
	v9 =	vadd.f32 v13, v14;
	[tilespmem:v0+s17+$0x0 ss:$0x1] =	vst.idx.msk $0xffff, v6;
	v6 =	vld.idx.msk [tilespmem:v0+s3+$0x0 ss:$0x1], $0xffff;
	s17 =	sadd.s32 s6, s5  }
.LBB2_8:
0x107: {  	s7 =	sadd.s32 $0x4, s7;
	s0 =	smov.u32 s31  }
0x108: {  	v12 =	vld.idx.msk [tilespmem:v0+s18+$0x0 ss:$0x1], $0xffff;
	[tilespmem:v0+s22+$0x0 ss:$0x1] =	vst.idx.msk $0xffff, v10;
	v8 =	vadd.f32 v8, v11;
	s3 =	smov.u32 s28;
	s4 =	smov.u32 s6;
	s21 =	sadd.s32 $0x200, s21  }
0x109: {  	s2 =	sshll.u32 s2, $0x8;
	s5 =	sshll.u32 s7, $0x9;
	p1 =	slt.u32 s7, $0x1C;
	v10 =	vld.idx.msk [tilespmem:v0+s16+$0x0 ss:$0x1], $0xffff;
	[tilespmem:v0+s20+$0x0 ss:$0x1] =	vst.idx.msk $0xffff, v9  }
0x10a: {  	v3 =	vmul.f32 v3, v1;
	s23 =	sand.u32 $0x200, s21;
	v4 =	vmul.f32 v4, v2;
	s2 =	sand.u32 $0x3FFFF800, s2;
	s5 =	sand.u32 $0x3FFFF000, s5;
	v9 =	vld.idx.msk [tilespmem:v0+s17+$0x0 ss:$0x1], $0xffff;
	[tilespmem:v0+s19+$0x0 ss:$0x1] =	vst.idx.msk $0xffff, v8  }
0x10b: {  	s31 =	sor.u32 $0x180, s23;
	v11 =	vmul.f32 v5, v2;
	s2 =	sadd.s32 s2, s13;
	s5 =	sadd.s32 s5, s14  }
0x10c: {  	s28 =	sor.u32 $0x80, s23;
	v13 =	vmul.f32 v6, v2;
	v5 =	vadd.f32 v4, v3;
	s17 =	sadd.s32 $0x800, s5;
	s6 =	sadd.s32 s31, s5  }
.Ltmp2:
0x10d: {  	s0 =	sadd.s32 s0, s2;
	v8 =	vmul.f32 v7, v2;
	v3 =	vld.idx.msk [tilespmem:v0+s6+$0x0 ss:$0x1], $0xffff;
	s16 =	sadd.s32 s31, s17;
	(pc) =	sbr.rel @p1 .LBB2_8-.Ltmp2, $4  }
0x10e: {  	s19 =	sadd.s32 s23, s17;
	s20 =	sadd.s32 s28, s17;
	s6 =	sor.u32 $0x100, s23;
	v7 =	vmul.f32 v12, v1;
	v4 =	vld.idx.msk [tilespmem:v0+s16+$0x0 ss:$0x1], $0xffff;
	[tilespmem:v0+s0+$0x0 ss:$0x1] =	vst.idx.msk $0xffff, v5  }
0x10f: {  	s18 =	sadd.s32 s23, s5;
	s16 =	sadd.s32 s28, s5;
	s0 =	sadd.s32 s6, s17;
	v12 =	vmul.f32 v10, v1;
	v5 =	vld.idx.msk [tilespmem:v0+s19+$0x0 ss:$0x1], $0xffff  }
0x110: {  	s22 =	sadd.s32 s15, s2;
	s17 =	sadd.s32 s6, s5;
	v10 =	vadd.f32 v11, v7;
	v11 =	vmul.f32 v9, v1;
	v6 =	vld.idx.msk [tilespmem:v0+s20+$0x0 ss:$0x1], $0xffff;
	s20 =	sadd.s32 s3, s2  }
0x111: {  	s15 =	smov.u32 s23;
	s19 =	sadd.s32 s4, s2;
	v9 =	vadd.f32 v13, v12;
	s2 =	smov.u32 s7;
	v7 =	vld.idx.msk [tilespmem:v0+s0+$0x0 ss:$0x1], $0xffff  }
0x112: {  	_ =	sdelay $0x3  }
0x113: {  	v12 =	vld.idx.msk [tilespmem:v0+s18+$0x0 ss:$0x1], $0xffff  }
0x114: {  	v13 =	vld.idx.msk [tilespmem:v0+s16+$0x0 ss:$0x1], $0xffff  }
0x115: {  	v14 =	vld.idx.msk [tilespmem:v0+s17+$0x0 ss:$0x1], $0xffff  }
0x116: {  	[tilespmem:v0+s22+$0x0 ss:$0x1] =	vst.idx.msk $0xffff, v10;
	v8 =	vadd.f32 v8, v11  }
0x117: {  	s0 =	sshll.u32 s2, $0x8;
	v3 =	vmul.f32 v3, v1;
	[tilespmem:v0+s20+$0x0 ss:$0x1] =	vst.idx.msk $0xffff, v9;
	v4 =	vmul.f32 v4, v2  }
0x118: {  	s12 =	sadd.s32 $0x1, s12;
	s0 =	sand.u32 $0x3FFFF800, s0;
	[tilespmem:v0+s19+$0x0 ss:$0x1] =	vst.idx.msk $0xffff, v8;
	v5 =	vmul.f32 v5, v2;
	v59 =	vmul.f32 v12, v1  }
0x119: {  	p1 =	sne.s32 s12, $0x10;
	s0 =	sadd.s32 s0, s13;
	v6 =	vmul.f32 v6, v2;
	v3 =	vadd.f32 v4, v3;
	v60 =	vmul.f32 v13, v1  }
.Ltmp3:
0x11a: {  	s23 =	sadd.s32 s31, s0;
	v61 =	vmul.f32 v7, v2;
	v62 =	vmul.f32 v14, v1;
	v5 =	vadd.f32 v5, v59;
	(pc) =	sbr.rel @p1 .LBB2_7-.Ltmp3, $4  }
0x11b: {  	s31 =	sadd.s32 s15, s0;
	[tilespmem:v0+s23+$0x0 ss:$0x1] =	vst.idx.msk $0xffff, v3;
	v63 =	vadd.f32 v6, v60  }
0x11c: {  	s3 =	sadd.s32 s28, s0;
	v1 =	vadd.f32 v61, v62;
	[tilespmem:v0+s31+$0x0 ss:$0x1] =	vst.idx.msk $0xffff, v5  }
0x11d: {  	s0 =	sadd.s32 s6, s0;
	[tilespmem:v0+s3+$0x0 ss:$0x1] =	vst.idx.msk $0xffff, v63  }
0x11e: {  	[tilespmem:v0+s0+$0x0 ss:$0x1] =	vst.idx.msk $0xffff, v1  }
0x11f: {  	s0 =	rddreg [dreg:$0xf]  }
0x120: {  	s0 =	sadd.s32 @!p0 s30, s0  }
0x121: {  	s3 =	simm.s32 @!p0 $0x0;
	s4 =	simm.s32 @!p0 $0x4000;
	s0 =	sshll.u32 @!p0 s0, $0x6  }
0x122: {  	s23 =	sshll.u32 s10, $0x5;
	s31 =	smov.u32 s25;
	s2 =	sadd.s32 @!p0 s1, s0  }
0x123: {  	[tilespmem:s4], [sflag:$0x2] =	stream.linear.gather @!p0 [hbm4b:s2+s3], $0x2000, $0x38;
	[tilespmem:$0x14300] =	vst v63  }
0x124: {  	s10 =	simm.s32 $0x0;
	s0 =	sadd.s32 @!p0 s0, s8;
	s2 =	simm.s32 @!p0 $0x6000  }
0x125: {  	[tilespmem:s2], [sflag:$0x2] =	stream.linear.gather @!p0 [hbm4b:s0+s3], $0x2000, $0x38;
	[tilespmem:$0x14300] =	vst v63  }
0x126: {  	s28 =	simm.s32 $0x3;
	s0 =	sadd.s32 s25, s23;
	s25 =	simm.s32 $0x12000  }
0x127: {  	[hbm4b:s0+s10] =	stream.linear.scatter [tilespmem:s25], [sflag:$0x6], $0x2000, $0x38;
	[tilespmem:$0x14300] =	vst v63  }
0x128: {  	_ =	swait.ge [sflag:s28], $0x4000  }
0x129: {  	[sflag:s28] =	ssyncset.done $0x0  }
0x12a: {  	[sflag:s28] =	ssyncadd.s32 $0xFFFFC000  }
0x12b: {  	_ =	swait.ge [sflag:s24], $0x2000  }
0x12c: {  	[sflag:s24] =	ssyncset.done $0x0  }
0x12d: {  	s11 =	simm.s32 $0x0;
	[sflag:s24] =	ssyncadd.s32 $0xFFFFE000  }
.LBB2_11:
0x12e: {  	s0 =	sshll.u32 s11, $0x4  }
0x12f: {  	s2 =	sand.u32 $0x70, s0  }
0x130: {  	s3 =	sshll.u32 s11, $0x7;
	v0 =	vmov s2  }
0x131: {  	s21 =	simm.s32 $0x0;
	s20 =	sand.u32 $0x400, s3  }
0x132: {  	s4 =	sand.u32 $0x200, s10;
	s3 =	sand.u32 $0x3FFFF000, s21;
	s13 =	sor.u32 $0x8000, s20  }
0x133: {  	v1 =	vld [tilespmem:s0+$0x14100];
	s5 =	sor.u32 $0x180, s4;
	s3 =	sadd.s32 s3, s13  }
0x134: {  	v2 =	vld [tilespmem:s0+$0x14200];
	s22 =	sadd.s32 $0x800, s3;
	s6 =	sadd.s32 s5, s3  }
0x135: {  	s23 =	sadd.s32 s5, s22;
	v3 =	vld.idx.msk [tilespmem:v0+s6+$0x0 ss:$0x1], $0xffff  }
0x136: {  	s17 =	simm.s32 $0x800;
	s7 =	sadd.s32 s4, s22;
	v4 =	vld.idx.msk [tilespmem:v0+s23+$0x0 ss:$0x1], $0xffff  }
0x137: {  	s18 =	simm.s32 $0x0;
	s19 =	sor.u32 $0x80, s4;
	s15 =	sadd.s32 s4, s3;
	v5 =	vld.idx.msk [tilespmem:v0+s7+$0x0 ss:$0x1], $0xffff  }
0x138: {  	s12 =	sor.u32 $0x10000, s20;
	s14 =	sadd.s32 s19, s3;
	s23 =	sor.u32 $0x100, s4;
	v7 =	vld.idx.msk [tilespmem:v0+s15+$0x0 ss:$0x1], $0xffff  }
0x139: {  	s6 =	sadd.s32 s19, s22;
	s15 =	simm.s32 $0x200;
	v8 =	vld.idx.msk [tilespmem:v0+s14+$0x0 ss:$0x1], $0xffff;
	s0 =	sadd.s32 s23, s22  }
0x13a: {  	v6 =	vld.idx.msk [tilespmem:v0+s6+$0x0 ss:$0x1], $0xffff;
	s16 =	sadd.s32 s23, s3;
	s14 =	sand.u32 $0x200, s15;
	s3 =	sand.u32 $0x3FFFF000, s17  }
0x13b: {  	s7 =	simm.s32 $0x4;
	v9 =	vld.idx.msk [tilespmem:v0+s0+$0x0 ss:$0x1], $0xffff;
	s3 =	sadd.s32 s3, s13;
	s21 =	sor.u32 $0x180, s14  }
0x13c: {  	v11 =	vld.idx.msk [tilespmem:v0+s16+$0x0 ss:$0x1], $0xffff;
	s0 =	sand.u32 $0x3FFFF800, s18;
	s2 =	sadd.s32 $0x800, s3;
	s20 =	sadd.s32 s21, s3  }
0x13d: {  	s28 =	sor.u32 $0x80, s14;
	s6 =	sor.u32 $0x100, s14;
	s16 =	sadd.s32 s14, s2;
	v10 =	vmul.f32 v3, v1;
	v4 =	vmul.f32 v4, v2;
	v3 =	vld.idx.msk [tilespmem:v0+s20+$0x0 ss:$0x1], $0xffff  }
0x13e: {  	s0 =	sadd.s32 s0, s12;
	s18 =	sadd.s32 s14, s3;
	s22 =	sadd.s32 s21, s2;
	v12 =	vmul.f32 v5, v2;
	v7 =	vmul.f32 v7, v1;
	v5 =	vld.idx.msk [tilespmem:v0+s16+$0x0 ss:$0x1], $0xffff  }
0x13f: {  	s5 =	sadd.s32 s5, s0;
	s17 =	sadd.s32 s28, s2;
	s2 =	sadd.s32 s6, s2;
	v14 =	vmul.f32 v8, v1;
	v13 =	vmul.f32 v6, v2;
	v6 =	vadd.f32 v4, v10;
	v4 =	vld.idx.msk [tilespmem:v0+s22+$0x0 ss:$0x1], $0xffff  }
0x140: {  	s16 =	sadd.s32 s28, s3;
	s20 =	sadd.s32 s19, s0;
	s19 =	sadd.s32 s23, s0;
	v8 =	vmul.f32 v9, v2;
	v10 =	vadd.f32 v12, v7;
	v7 =	vld.idx.msk [tilespmem:v0+s2+$0x0 ss:$0x1], $0xffff  }
0x141: {  	s22 =	sadd.s32 s4, s0;
	v11 =	vmul.f32 v11, v1;
	s2 =	simm.s32 $0x4;
	v9 =	vadd.f32 v13, v14;
	[tilespmem:v0+s5+$0x0 ss:$0x1] =	vst.idx.msk $0xffff, v6;
	v6 =	vld.idx.msk [tilespmem:v0+s17+$0x0 ss:$0x1], $0xffff;
	s17 =	sadd.s32 s6, s3  }
.LBB2_12:
0x142: {  	s7 =	sadd.s32 $0x4, s7;
	s0 =	smov.u32 s21  }
0x143: {  	v12 =	vld.idx.msk [tilespmem:v0+s18+$0x0 ss:$0x1], $0xffff;
	[tilespmem:v0+s22+$0x0 ss:$0x1] =	vst.idx.msk $0xffff, v10;
	v8 =	vadd.f32 v8, v11;
	s3 =	smov.u32 s28;
	s4 =	smov.u32 s6;
	s15 =	sadd.s32 $0x200, s15  }
0x144: {  	s2 =	sshll.u32 s2, $0x8;
	s5 =	sshll.u32 s7, $0x9;
	p1 =	slt.u32 s7, $0x1C;
	v10 =	vld.idx.msk [tilespmem:v0+s16+$0x0 ss:$0x1], $0xffff;
	[tilespmem:v0+s20+$0x0 ss:$0x1] =	vst.idx.msk $0xffff, v9  }
0x145: {  	v3 =	vmul.f32 v3, v1;
	s23 =	sand.u32 $0x200, s15;
	v4 =	vmul.f32 v4, v2;
	s2 =	sand.u32 $0x3FFFF800, s2;
	s5 =	sand.u32 $0x3FFFF000, s5;
	v9 =	vld.idx.msk [tilespmem:v0+s17+$0x0 ss:$0x1], $0xffff;
	[tilespmem:v0+s19+$0x0 ss:$0x1] =	vst.idx.msk $0xffff, v8  }
0x146: {  	s21 =	sor.u32 $0x180, s23;
	v11 =	vmul.f32 v5, v2;
	s2 =	sadd.s32 s2, s12;
	s5 =	sadd.s32 s5, s13  }
0x147: {  	s28 =	sor.u32 $0x80, s23;
	v13 =	vmul.f32 v6, v2;
	v5 =	vadd.f32 v4, v3;
	s17 =	sadd.s32 $0x800, s5;
	s6 =	sadd.s32 s21, s5  }
.Ltmp4:
0x148: {  	s0 =	sadd.s32 s0, s2;
	v8 =	vmul.f32 v7, v2;
	v3 =	vld.idx.msk [tilespmem:v0+s6+$0x0 ss:$0x1], $0xffff;
	s16 =	sadd.s32 s21, s17;
	(pc) =	sbr.rel @p1 .LBB2_12-.Ltmp4, $4  }
0x149: {  	s19 =	sadd.s32 s23, s17;
	s20 =	sadd.s32 s28, s17;
	s6 =	sor.u32 $0x100, s23;
	v7 =	vmul.f32 v12, v1;
	v4 =	vld.idx.msk [tilespmem:v0+s16+$0x0 ss:$0x1], $0xffff;
	[tilespmem:v0+s0+$0x0 ss:$0x1] =	vst.idx.msk $0xffff, v5  }
0x14a: {  	s18 =	sadd.s32 s23, s5;
	s16 =	sadd.s32 s28, s5;
	s0 =	sadd.s32 s6, s17;
	v12 =	vmul.f32 v10, v1;
	v5 =	vld.idx.msk [tilespmem:v0+s19+$0x0 ss:$0x1], $0xffff  }
0x14b: {  	s22 =	sadd.s32 s14, s2;
	s17 =	sadd.s32 s6, s5;
	v10 =	vadd.f32 v11, v7;
	v11 =	vmul.f32 v9, v1;
	v6 =	vld.idx.msk [tilespmem:v0+s20+$0x0 ss:$0x1], $0xffff;
	s20 =	sadd.s32 s3, s2  }
0x14c: {  	s14 =	smov.u32 s23;
	s19 =	sadd.s32 s4, s2;
	v9 =	vadd.f32 v13, v12;
	s2 =	smov.u32 s7;
	v7 =	vld.idx.msk [tilespmem:v0+s0+$0x0 ss:$0x1], $0xffff  }
0x14d: {  	_ =	sdelay $0x3  }
0x14e: {  	v12 =	vld.idx.msk [tilespmem:v0+s18+$0x0 ss:$0x1], $0xffff  }
0x14f: {  	v13 =	vld.idx.msk [tilespmem:v0+s16+$0x0 ss:$0x1], $0xffff  }
0x150: {  	v14 =	vld.idx.msk [tilespmem:v0+s17+$0x0 ss:$0x1], $0xffff  }
0x151: {  	[tilespmem:v0+s22+$0x0 ss:$0x1] =	vst.idx.msk $0xffff, v10;
	v8 =	vadd.f32 v8, v11  }
0x152: {  	s0 =	sshll.u32 s2, $0x8;
	v3 =	vmul.f32 v3, v1;
	[tilespmem:v0+s20+$0x0 ss:$0x1] =	vst.idx.msk $0xffff, v9;
	v4 =	vmul.f32 v4, v2  }
0x153: {  	s11 =	sadd.s32 $0x1, s11;
	s0 =	sand.u32 $0x3FFFF800, s0;
	[tilespmem:v0+s19+$0x0 ss:$0x1] =	vst.idx.msk $0xffff, v8;
	v5 =	vmul.f32 v5, v2;
	v59 =	vmul.f32 v12, v1  }
0x154: {  	p1 =	sne.s32 s11, $0x10;
	s0 =	sadd.s32 s0, s12;
	v6 =	vmul.f32 v6, v2;
	v3 =	vadd.f32 v4, v3;
	v60 =	vmul.f32 v13, v1  }
.Ltmp5:
0x155: {  	s22 =	sadd.s32 s21, s0;
	v61 =	vmul.f32 v7, v2;
	v62 =	vmul.f32 v14, v1;
	v5 =	vadd.f32 v5, v59;
	(pc) =	sbr.rel @p1 .LBB2_11-.Ltmp5, $4  }
0x156: {  	s23 =	sadd.s32 s14, s0;
	[tilespmem:v0+s22+$0x0 ss:$0x1] =	vst.idx.msk $0xffff, v3;
	v63 =	vadd.f32 v6, v60  }
0x157: {  	s3 =	sadd.s32 s28, s0;
	v1 =	vadd.f32 v61, v62;
	[tilespmem:v0+s23+$0x0 ss:$0x1] =	vst.idx.msk $0xffff, v5  }
0x158: {  	s0 =	sadd.s32 s6, s0;
	[tilespmem:v0+s3+$0x0 ss:$0x1] =	vst.idx.msk $0xffff, v63  }
0x159: {  	[tilespmem:v0+s0+$0x0 ss:$0x1] =	vst.idx.msk $0xffff, v1  }
0x15a: {  	s0 =	rddreg [dreg:$0x10]  }
0x15b: {  	s0 =	sadd.s32 @!p0 s30, s0  }
0x15c: {  	s3 =	simm.s32 @!p0 $0x0;
	s4 =	simm.s32 @!p0 $0x8000;
	s0 =	sshll.u32 @!p0 s0, $0x6  }
0x15d: {  	s21 =	sadd.s32 $0x40, s9;
	s10 =	simm.s32 $0x0;
	s2 =	sadd.s32 @!p0 s1, s0  }
0x15e: {  	[tilespmem:s4], [sflag:$0x3] =	stream.linear.gather @!p0 [hbm4b:s2+s3], $0x2000, $0x38;
	[tilespmem:$0x14300] =	vst v63  }
0x15f: {  	s22 =	sshll.u32 s21, $0x5;
	s0 =	sadd.s32 @!p0 s0, s8;
	s4 =	simm.s32 @!p0 $0xA000  }
0x160: {  	[tilespmem:s4], [sflag:$0x3] =	stream.linear.gather @!p0 [hbm4b:s0+s3], $0x2000, $0x38;
	[tilespmem:$0x14300] =	vst v63  }
0x161: {  	s23 =	simm.s32 $0x10000;
	s28 =	simm.s32 $0x4;
	s0 =	sadd.s32 s31, s22  }
0x162: {  	[hbm4b:s0+s10] =	stream.linear.scatter [tilespmem:s23], [sflag:$0x5], $0x2000, $0x38;
	[tilespmem:$0x14300] =	vst v63  }
0x163: {  	_ =	swait.ge [sflag:s28], $0x4000  }
0x164: {  	[sflag:s28] =	ssyncset.done $0x0  }
0x165: {  	[sflag:s28] =	ssyncadd.s32 $0xFFFFC000  }
0x166: {  	_ =	swait.ge [sflag:s26], $0x2000  }
0x167: {  	[sflag:s26] =	ssyncset.done $0x0  }
0x168: {  	s11 =	simm.s32 $0x0;
	[sflag:s26] =	ssyncadd.s32 $0xFFFFE000  }
.LBB2_15:
0x169: {  	s0 =	sshll.u32 s11, $0x4  }
0x16a: {  	s2 =	sand.u32 $0x70, s0  }
0x16b: {  	s3 =	sshll.u32 s11, $0x7;
	v0 =	vmov s2  }
0x16c: {  	s21 =	simm.s32 $0x0;
	s20 =	sand.u32 $0x400, s3  }
0x16d: {  	s4 =	sand.u32 $0x200, s10;
	s3 =	sand.u32 $0x3FFFF000, s21;
	s13 =	sor.u32 $0xC000, s20  }
0x16e: {  	v1 =	vld [tilespmem:s0+$0x14100];
	s5 =	sor.u32 $0x180, s4;
	s3 =	sadd.s32 s3, s13  }
0x16f: {  	v2 =	vld [tilespmem:s0+$0x14200];
	s22 =	sadd.s32 $0x800, s3;
	s6 =	sadd.s32 s5, s3  }
0x170: {  	s23 =	sadd.s32 s5, s22;
	v3 =	vld.idx.msk [tilespmem:v0+s6+$0x0 ss:$0x1], $0xffff  }
0x171: {  	s17 =	simm.s32 $0x800;
	s7 =	sadd.s32 s4, s22;
	v4 =	vld.idx.msk [tilespmem:v0+s23+$0x0 ss:$0x1], $0xffff  }
0x172: {  	s18 =	simm.s32 $0x0;
	s19 =	sor.u32 $0x80, s4;
	s15 =	sadd.s32 s4, s3;
	v5 =	vld.idx.msk [tilespmem:v0+s7+$0x0 ss:$0x1], $0xffff  }
0x173: {  	s12 =	sor.u32 $0x12000, s20;
	s14 =	sadd.s32 s19, s3;
	s23 =	sor.u32 $0x100, s4;
	v7 =	vld.idx.msk [tilespmem:v0+s15+$0x0 ss:$0x1], $0xffff  }
0x174: {  	s6 =	sadd.s32 s19, s22;
	s15 =	simm.s32 $0x200;
	v8 =	vld.idx.msk [tilespmem:v0+s14+$0x0 ss:$0x1], $0xffff;
	s0 =	sadd.s32 s23, s22  }
0x175: {  	v6 =	vld.idx.msk [tilespmem:v0+s6+$0x0 ss:$0x1], $0xffff;
	s16 =	sadd.s32 s23, s3;
	s14 =	sand.u32 $0x200, s15;
	s3 =	sand.u32 $0x3FFFF000, s17  }
0x176: {  	s7 =	simm.s32 $0x4;
	v9 =	vld.idx.msk [tilespmem:v0+s0+$0x0 ss:$0x1], $0xffff;
	s3 =	sadd.s32 s3, s13;
	s21 =	sor.u32 $0x180, s14  }
0x177: {  	v11 =	vld.idx.msk [tilespmem:v0+s16+$0x0 ss:$0x1], $0xffff;
	s0 =	sand.u32 $0x3FFFF800, s18;
	s2 =	sadd.s32 $0x800, s3;
	s20 =	sadd.s32 s21, s3  }
0x178: {  	s28 =	sor.u32 $0x80, s14;
	s6 =	sor.u32 $0x100, s14;
	s16 =	sadd.s32 s14, s2;
	v10 =	vmul.f32 v3, v1;
	v4 =	vmul.f32 v4, v2;
	v3 =	vld.idx.msk [tilespmem:v0+s20+$0x0 ss:$0x1], $0xffff  }
0x179: {  	s0 =	sadd.s32 s0, s12;
	s18 =	sadd.s32 s14, s3;
	s22 =	sadd.s32 s21, s2;
	v12 =	vmul.f32 v5, v2;
	v7 =	vmul.f32 v7, v1;
	v5 =	vld.idx.msk [tilespmem:v0+s16+$0x0 ss:$0x1], $0xffff  }
0x17a: {  	s5 =	sadd.s32 s5, s0;
	s17 =	sadd.s32 s28, s2;
	s2 =	sadd.s32 s6, s2;
	v14 =	vmul.f32 v8, v1;
	v13 =	vmul.f32 v6, v2;
	v6 =	vadd.f32 v4, v10;
	v4 =	vld.idx.msk [tilespmem:v0+s22+$0x0 ss:$0x1], $0xffff  }
0x17b: {  	s16 =	sadd.s32 s28, s3;
	s20 =	sadd.s32 s19, s0;
	s19 =	sadd.s32 s23, s0;
	v8 =	vmul.f32 v9, v2;
	v10 =	vadd.f32 v12, v7;
	v7 =	vld.idx.msk [tilespmem:v0+s2+$0x0 ss:$0x1], $0xffff  }
0x17c: {  	s22 =	sadd.s32 s4, s0;
	v11 =	vmul.f32 v11, v1;
	s2 =	simm.s32 $0x4;
	v9 =	vadd.f32 v13, v14;
	[tilespmem:v0+s5+$0x0 ss:$0x1] =	vst.idx.msk $0xffff, v6;
	v6 =	vld.idx.msk [tilespmem:v0+s17+$0x0 ss:$0x1], $0xffff;
	s17 =	sadd.s32 s6, s3  }
.LBB2_16:
0x17d: {  	s7 =	sadd.s32 $0x4, s7;
	s0 =	smov.u32 s21  }
0x17e: {  	v12 =	vld.idx.msk [tilespmem:v0+s18+$0x0 ss:$0x1], $0xffff;
	[tilespmem:v0+s22+$0x0 ss:$0x1] =	vst.idx.msk $0xffff, v10;
	v8 =	vadd.f32 v8, v11;
	s3 =	smov.u32 s28;
	s4 =	smov.u32 s6;
	s15 =	sadd.s32 $0x200, s15  }
0x17f: {  	s2 =	sshll.u32 s2, $0x8;
	s5 =	sshll.u32 s7, $0x9;
	p1 =	slt.u32 s7, $0x1C;
	v10 =	vld.idx.msk [tilespmem:v0+s16+$0x0 ss:$0x1], $0xffff;
	[tilespmem:v0+s20+$0x0 ss:$0x1] =	vst.idx.msk $0xffff, v9  }
0x180: {  	v3 =	vmul.f32 v3, v1;
	s23 =	sand.u32 $0x200, s15;
	v4 =	vmul.f32 v4, v2;
	s2 =	sand.u32 $0x3FFFF800, s2;
	s5 =	sand.u32 $0x3FFFF000, s5;
	v9 =	vld.idx.msk [tilespmem:v0+s17+$0x0 ss:$0x1], $0xffff;
	[tilespmem:v0+s19+$0x0 ss:$0x1] =	vst.idx.msk $0xffff, v8  }
0x181: {  	s21 =	sor.u32 $0x180, s23;
	v11 =	vmul.f32 v5, v2;
	s2 =	sadd.s32 s2, s12;
	s5 =	sadd.s32 s5, s13  }
0x182: {  	s28 =	sor.u32 $0x80, s23;
	v13 =	vmul.f32 v6, v2;
	v5 =	vadd.f32 v4, v3;
	s17 =	sadd.s32 $0x800, s5;
	s6 =	sadd.s32 s21, s5  }
.Ltmp6:
0x183: {  	s0 =	sadd.s32 s0, s2;
	v8 =	vmul.f32 v7, v2;
	v3 =	vld.idx.msk [tilespmem:v0+s6+$0x0 ss:$0x1], $0xffff;
	s16 =	sadd.s32 s21, s17;
	(pc) =	sbr.rel @p1 .LBB2_16-.Ltmp6, $4  }
0x184: {  	s19 =	sadd.s32 s23, s17;
	s20 =	sadd.s32 s28, s17;
	s6 =	sor.u32 $0x100, s23;
	v7 =	vmul.f32 v12, v1;
	v4 =	vld.idx.msk [tilespmem:v0+s16+$0x0 ss:$0x1], $0xffff;
	[tilespmem:v0+s0+$0x0 ss:$0x1] =	vst.idx.msk $0xffff, v5  }
0x185: {  	s18 =	sadd.s32 s23, s5;
	s16 =	sadd.s32 s28, s5;
	s0 =	sadd.s32 s6, s17;
	v12 =	vmul.f32 v10, v1;
	v5 =	vld.idx.msk [tilespmem:v0+s19+$0x0 ss:$0x1], $0xffff  }
0x186: {  	s22 =	sadd.s32 s14, s2;
	s17 =	sadd.s32 s6, s5;
	v10 =	vadd.f32 v11, v7;
	v11 =	vmul.f32 v9, v1;
	v6 =	vld.idx.msk [tilespmem:v0+s20+$0x0 ss:$0x1], $0xffff;
	s20 =	sadd.s32 s3, s2  }
0x187: {  	s14 =	smov.u32 s23;
	s19 =	sadd.s32 s4, s2;
	v9 =	vadd.f32 v13, v12;
	s2 =	smov.u32 s7;
	v7 =	vld.idx.msk [tilespmem:v0+s0+$0x0 ss:$0x1], $0xffff  }
0x188: {  	_ =	sdelay $0x3  }
0x189: {  	v12 =	vld.idx.msk [tilespmem:v0+s18+$0x0 ss:$0x1], $0xffff  }
0x18a: {  	v13 =	vld.idx.msk [tilespmem:v0+s16+$0x0 ss:$0x1], $0xffff  }
0x18b: {  	v14 =	vld.idx.msk [tilespmem:v0+s17+$0x0 ss:$0x1], $0xffff  }
0x18c: {  	[tilespmem:v0+s22+$0x0 ss:$0x1] =	vst.idx.msk $0xffff, v10;
	v8 =	vadd.f32 v8, v11  }
0x18d: {  	s0 =	sshll.u32 s2, $0x8;
	v3 =	vmul.f32 v3, v1;
	[tilespmem:v0+s20+$0x0 ss:$0x1] =	vst.idx.msk $0xffff, v9;
	v4 =	vmul.f32 v4, v2  }
0x18e: {  	s11 =	sadd.s32 $0x1, s11;
	s0 =	sand.u32 $0x3FFFF800, s0;
	[tilespmem:v0+s19+$0x0 ss:$0x1] =	vst.idx.msk $0xffff, v8;
	v5 =	vmul.f32 v5, v2;
	v59 =	vmul.f32 v12, v1  }
0x18f: {  	p1 =	sne.s32 s11, $0x10;
	s0 =	sadd.s32 s0, s12;
	v6 =	vmul.f32 v6, v2;
	v3 =	vadd.f32 v4, v3;
	v60 =	vmul.f32 v13, v1  }
.Ltmp7:
0x190: {  	s22 =	sadd.s32 s21, s0;
	v61 =	vmul.f32 v7, v2;
	v62 =	vmul.f32 v14, v1;
	v5 =	vadd.f32 v5, v59;
	(pc) =	sbr.rel @p1 .LBB2_15-.Ltmp7, $4  }
0x191: {  	s23 =	sadd.s32 s14, s0;
	[tilespmem:v0+s22+$0x0 ss:$0x1] =	vst.idx.msk $0xffff, v3;
	v63 =	vadd.f32 v6, v60  }
0x192: {  	s3 =	sadd.s32 s28, s0;
	v1 =	vadd.f32 v61, v62;
	[tilespmem:v0+s23+$0x0 ss:$0x1] =	vst.idx.msk $0xffff, v5  }
0x193: {  	s0 =	sadd.s32 s6, s0;
	[tilespmem:v0+s3+$0x0 ss:$0x1] =	vst.idx.msk $0xffff, v63  }
0x194: {  	[tilespmem:v0+s0+$0x0 ss:$0x1] =	vst.idx.msk $0xffff, v1  }
0x195: {  	s0 =	rddreg [dreg:$0x11]  }
0x196: {  	s0 =	sadd.s32 @!p0 s30, s0  }
0x197: {  	s0 =	sshll.u32 @!p0 s0, $0x6  }
0x198: {  	s3 =	simm.s32 @!p0 $0x0;
	s4 =	simm.s32 @!p0 $0xC000;
	s2 =	sadd.s32 @!p0 s1, s0  }
0x199: {  	[tilespmem:s4], [sflag:$0x4] =	stream.linear.gather @!p0 [hbm4b:s2+s3], $0x2000, $0x38;
	[tilespmem:$0x14300] =	vst v63  }
0x19a: {  	s29 =	sadd.s32 $0x1, s29;
	s0 =	sadd.s32 @!p0 s0, s8;
	s4 =	simm.s32 @!p0 $0xE000  }
0x19b: {  	[tilespmem:s4], [sflag:$0x4] =	stream.linear.gather @!p0 [hbm4b:s0+s3], $0x2000, $0x38;
	[tilespmem:$0x14300] =	vst v63  }
0x19c: {  	p0 =	sne.s32 s29, $0x4  }
.Ltmp8:
0x19d: {  	_ = 	snop;
	(pc) =	sbr.rel @p0 .LBB2_2-.Ltmp8, $4  }
0x19e: {  	s28 =	sadd.s32 $0x60, s9  }
0x19f: {  	s30 =	sshll.u32 s28, $0x5  }
0x1a0: {  	s23 =	simm.s32 $0x0;
	s0 =	sadd.s32 s31, s30  }
0x1a1: {  	[hbm4b:s0+s23] =	stream.linear.scatter [tilespmem:s25], [sflag:$0x6], $0x2000, $0x38;
	[tilespmem:$0x14300] =	vst v63  }
0x1a2: {  	_ =	swait.ge [sflag:s24], $0x2000  }
0x1a3: {  	[sflag:s24] =	ssyncset.done $0x0  }
0x1a4: {  	[sflag:s24] =	ssyncadd.s32 $0xFFFFE000  }
0x1a5: {  	_ =	swait.ge [sflag:s26], $0x2000  }
0x1a6: {  	s2 =	rddreg [dreg:$0x13]  }
0x1a7: {  	s0 =	rddreg [dreg:$0x12];
	s2 =	sadd.s32 $0x1, s2  }
0x1a8: {  	p0 =	sne.s32 s2, s0  }
.Ltmp9:
0x1a9: {  	_ = 	snop;
	(pc) =	sbr.rel @p0 .LBB2_1-.Ltmp9, $3  }
0x1aa: {  	_ =	sdelay $0x1  }
0x1ab: {  	[sflag:s26] =	ssyncset.done $0x0  }
0x1ac: {  	[sflag:s26] =	ssyncadd.s32 $0xFFFFE000  }
0x1ad: {  	_ =	sfence.sel $0x180000  }
0x1ae: {  	[bflag:$0x0] =	sbarrier.arrive $0xFFFF  }
0x1af: {  	_ =	strace $0x90000047  }
0x1b0: {  	s0 =	stileid.u32;
	[bflag:$0x2] =	sbarrier.arrive $0xFFFF  }
0x1b1: {  	p0 =	sne.s32 s0, $0x0;
	s0 =	rddreg [dreg:$0x3]  }
0x1b2: {  	s0 =	sadd.s32 @!p0 $0x100000, s0  }
0x1b3: {  	[sflag:s0] =	ssyncadd.tile.s32 @!p0 $0x1;
	_ =	shalt  }
.Lfunc_end2:
_tile_overlayer_lowered:
.L_overlay_start_2:
0x1b4: {  	(tag) =	ssettag $0x2  }
0x1b5: {  	s0 =	rddreg [dreg:$0x0];
	s2 =	stileid.u32  }
0x1b6: {  	s1 =	rddreg [dreg:$0x1];
	p0 =	sne.s32 s2, $0x0  }
0x1b7: {  	s3 =	rddreg [dreg:$0x2];
	[bflag:$0x3] =	sbarrier.arrive $0xFFFF;
	s2 =	simm.s32 @!p0 $0x1C07  }
0x1b8: {  	[timem:s3], [sflag:s2] =	dma.local @!p0 [hbm:s0], s1  }
0x1b9: {  	s0 =	simm.s32 @!p0 $0x7  }
0x1ba: {  	_ =	swait.ge @!p0 [sflag:s0], s1  }
0x1bb: {  	s1 =	ssub.s32 @!p0 $0x0, s1;
	[sflag:s0] =	ssyncset.done @!p0 $0x0  }
0x1bc: {  	[sflag:s0] =	ssyncadd.s32 @!p0 s1  }
0x1bd: {  	[bflag:$0x3] =	sbarrier.arrive $0xFFFF  }
0x1be: {  	_ =	shalt  }

</sc_bundles>
